<compile_context>
chip_gen: v7x
topology: tpu7x:2x2x1
jax: 0.10.2.dev20260603
libtpu: 0.0.44.dev20260713+nightly
codegen_flags: <defaults>
</compile_context>

<pallas_src>
import functools

import jax
import jax.numpy as jnp
from jax import lax
from jax.experimental import pallas as pl
from jax.experimental.pallas import tpu as pltpu
from jax.experimental.pallas import tpu_sc as plsc

_NC = 2
_NS = 16
_NW = _NC * _NS
_NBUF = 3


def _tc_pack(Hf):
    R, HD = Hf.shape
    HW = HD // 2
    BR = 2000

    def body(h_ref, o_ref):
        u = lax.bitcast_convert_type(h_ref[...], jnp.uint32)
        r = u + jnp.uint32(0x7FFF) + ((u >> jnp.uint32(16)) & jnp.uint32(1))
        lo = r[:, :HW] >> jnp.uint32(16)
        hi = r[:, HW:] & jnp.uint32(0xFFFF0000)
        o_ref[...] = lax.bitcast_convert_type(lo | hi, jnp.float32)

    return pl.pallas_call(
        body,
        grid=(R // BR,),
        in_specs=[pl.BlockSpec((BR, HD), lambda i: (i, 0))],
        out_specs=pl.BlockSpec((BR, HW), lambda i: (i, 0)),
        out_shape=jax.ShapeDtypeStruct((R, HW), jnp.float32),
    )(Hf)


def _sc_gather_sum(table, idx3, K, NCH_EFF, NCHUNKS):
    R, HD = table.shape
    NCH_PAD, NW, CBK = idx3.shape
    CB = CBK // K

    mesh = plsc.VectorSubcoreMesh(core_axis_name="c", subcore_axis_name="s")

    @functools.partial(
        pl.kernel,
        out_type=jax.ShapeDtypeStruct((R * HD,), jnp.float32),
        mesh=mesh,
        compiler_params=pltpu.CompilerParams(
            needs_layout_passes=False, use_tc_tiling_on_sc=False),
        scratch_types=[
            pltpu.VMEM((NCH_PAD, CBK), jnp.int32),
            [pltpu.VMEM((CBK, HD), jnp.float32) for _ in range(_NBUF)],
            [pltpu.VMEM((CB * HD,), jnp.float32) for _ in range(_NBUF)],
            [pltpu.SemaphoreType.DMA for _ in range(_NBUF)],
            [pltpu.SemaphoreType.DMA for _ in range(_NBUF)],
        ],
    )
    def k(tab_hbm, idx_hbm, out_hbm, idx_v, gbufs, obufs, gsems, osems):
        wid = lax.axis_index("s") * _NC + lax.axis_index("c")
        pltpu.sync_copy(idx_hbm.at[:, wid], idx_v)

        def e0_of(c):
            return pl.multiple_of(
                jnp.minimum(c * NW + wid, NCHUNKS - 1) * (CB * HD), CB * HD)

        for b in range(_NBUF):
            pltpu.make_async_copy(
                tab_hbm.at[idx_v.at[b]], gbufs[b], gsems[b]).start()

        def step(i, carry):
            for b in range(_NBUF):
                c = i * _NBUF + b
                gb, ob = gbufs[b], obufs[b]
                gs, os_ = gsems[b], osems[b]
                e0 = e0_of(c)
                pltpu.make_async_copy(tab_hbm.at[idx_v.at[c]], gb, gs).wait()
                @pl.when(c >= _NBUF)
                def _():
                    pltpu.make_async_copy(
                        ob, out_hbm.at[pl.ds(0, CB * HD)], os_).wait()

                def row(r, rc):
                    rb = r * K
                    acc = [
                        plsc.bitcast(gb[rb, pl.ds(h * 16, 16)], jnp.bfloat16)
                        for h in range(HD // 16)
                    ]
                    for kk in range(1, K):
                        for h in range(HD // 16):
                            acc[h] += plsc.bitcast(
                                gb[rb + kk, pl.ds(h * 16, 16)], jnp.bfloat16)
                    for h in range(HD // 16):
                        ob[pl.ds(r * HD + h * 16, 16)] = plsc.bitcast(
                            acc[h], jnp.float32)
                    return rc

                lax.fori_loop(0, CB, row, 0)
                @pl.when(c + _NBUF < NCH_EFF)
                def _():
                    pltpu.make_async_copy(
                        tab_hbm.at[idx_v.at[c + _NBUF]], gb, gs).start()
                pltpu.make_async_copy(
                    ob, out_hbm.at[pl.ds(e0, CB * HD)], os_).start()
            return carry

        lax.fori_loop(0, NCH_EFF // _NBUF, step, 0)
        for b in range(_NBUF):
            pltpu.make_async_copy(
                obufs[b], out_hbm.at[pl.ds(0, CB * HD)], osems[b]).wait()

    return k(table, idx3)


def _tc_combine(Hf, G, W, b2, K):
    N, DHD = Hf.shape
    D, _, HW = G.shape
    HD = 2 * HW
    BN = 1000
    scale = 1.0 / K

    def body(h_ref, g_ref, w_ref, b_ref, o_ref):
        wlo = w_ref[:, :HW]
        whi = w_ref[:, HW:]
        bb = b_ref[...]
        for d in range(D):
            u = lax.bitcast_convert_type(g_ref[d], jnp.uint32)
            glo = lax.bitcast_convert_type(u << jnp.uint32(16), jnp.float32)
            ghi = lax.bitcast_convert_type(
                u & jnp.uint32(0xFFFF0000), jnp.float32)
            m = lax.dot_general(glo, wlo, (((1,), (1,)), ((), ())),
                                preferred_element_type=jnp.float32)
            m += lax.dot_general(ghi, whi, (((1,), (1,)), ((), ())),
                                 preferred_element_type=jnp.float32)
            o_ref[:, d * HD:(d + 1) * HD] = (
                h_ref[:, d * HD:(d + 1) * HD] + m * scale + bb)

    return pl.pallas_call(
        body,
        grid=(N // BN,),
        in_specs=[
            pl.BlockSpec((BN, DHD), lambda i: (i, 0)),
            pl.BlockSpec((D, BN, HW), lambda i: (0, i, 0)),
            pl.BlockSpec((HD, HD), lambda i: (0, 0)),
            pl.BlockSpec((1, HD), lambda i: (0, 0)),
        ],
        out_specs=pl.BlockSpec((BN, DHD), lambda i: (i, 0)),
        out_shape=jax.ShapeDtypeStruct((N, DHD), jnp.float32),
    )(Hf, G, W, b2)


def kernel(H, knn_idx, W, b):
    N, D, HD = H.shape
    K = knn_idx.shape[-1]
    R = N * D
    HW = HD // 2
    CB = 8
    NCHUNKS = R // CB
    NCH_EFF = -(-NCHUNKS // _NW)
    NCH_EFF = -(-NCH_EFF // _NBUF) * _NBUF
    NCH_PAD = -(-(NCH_EFF) // 8) * 8

    Hp = _tc_pack(H.reshape(R, HD))
    offs = jnp.arange(D, dtype=jnp.int32)[:, None, None]
    idx_chunks = (knn_idx * D + offs).reshape(NCHUNKS, CB * K)
    pad = NCH_PAD * _NW - NCHUNKS
    idx3 = jnp.concatenate(
        [idx_chunks,
         jnp.broadcast_to(idx_chunks[-1:], (pad, CB * K))],
        axis=0).reshape(NCH_PAD, _NW, CB * K)

    G = _sc_gather_sum(Hp, idx3, K, NCH_EFF, NCHUNKS)
    out = _tc_combine(H.reshape(N, D * HD), G.reshape(D, N, HW),
                      W, b.reshape(1, HD), K)
    return out.reshape(N, D, HD)

# --- scband reference (transcript-rebuilt; emitter-appended) ---
"""Pipeline reference for scband-across-mp-63934883168310 (READ-ONLY COPY).

The authoritative reference and input builder live on the scoring server;
editing this copy changes nothing except your own understanding.
"""

import jax, jax.numpy as jnp
import numpy as np

N, D, Hdim, K = 10000, 4, 128, 16
BS = 2

def setup_inputs(seed: int = 0) -> dict:
    key = jax.random.key(seed)
    k1, k2, k3 = jax.random.split(key, 3)
    H = jax.random.normal(k1, (N, D, Hdim), dtype=jnp.float32)
    knn_idx = jax.random.randint(k2, (D, N, K), 0, N, dtype=jnp.int32)
    W = jax.random.normal(k3, (Hdim, Hdim), dtype=jnp.float32) * 0.05
    b = jnp.zeros((Hdim,), dtype=jnp.float32)
    return {"H": H, "knn_idx": knn_idx, "W": W, "b": b}

def reference(H, knn_idx, W, b):
    n, d, h = H.shape
    k = knn_idx.shape[-1]
    bs = BS if (BS is not None and BS < d) else d
    H_out = H
    for start in range(0, d, bs):
        end = min(start + bs, d)
        bnum = end - start
        knn_batch = knn_idx[start:end]  # [b, n, k]
        feature = jnp.broadcast_to(jnp.arange(start, end, dtype=jnp.int32).reshape(bnum, 1, 1), (bnum, n, k)).reshape(-1)
        target = jnp.broadcast_to(jnp.arange(n, dtype=jnp.int32).reshape(1, n, 1), (bnum, n, k)).reshape(-1)
        source = knn_batch.reshape(-1)
        H_src = H[source, feature]  # [b*n*k, h] gather
        msgs = H_src @ W.T + b     # linear message projection
        scatter_idx = target * d + feature
        sums = jax.ops.segment_sum(msgs, scatter_idx, num_segments=n * d)
        counts = jax.ops.segment_sum(jnp.ones((msgs.shape[0],), dtype=msgs.dtype), scatter_idx, num_segments=n * d)
        agg = sums / jnp.clip(counts, 1.0, None)[:, None]  # scatter_mean semantics (0 for empty segments)
        H_agg = agg.reshape(n, d, h)[:, start:end, :]
        H_out = H_out.at[:, start:end, :].add(H_agg)
    return H_out

if __name__ == "__main__":
    import jax
    _d = setup_inputs()
    print(jax.jit(kernel)(*tuple(_d.values())))

</pallas_src>

<mosaic_0001>
#map = affine_map<(d0, d1) -> (0, 0)>
#map1 = affine_map<(d0, d1) -> (0, 0, 0)>
#map2 = affine_map<(d0, d1) -> (0)>
module attributes {stable_mosaic.version = 14 : i64} {
  func.func @k(%arg0: i32, %arg1: i32, %arg2: memref<40000x64xf32, #tpu.memory_space<hbm>>, %arg3: memref<160x32x128xi32, #tpu.memory_space<hbm>>, %arg4: memref<2560000xf32, #tpu.memory_space<hbm>>, %arg5: memref<160x128xi32, #tpu.memory_space<vmem>>, %arg6: memref<128x64xf32, #tpu.memory_space<vmem>>, %arg7: memref<128x64xf32, #tpu.memory_space<vmem>>, %arg8: memref<128x64xf32, #tpu.memory_space<vmem>>, %arg9: memref<512xf32, #tpu.memory_space<vmem>>, %arg10: memref<512xf32, #tpu.memory_space<vmem>>, %arg11: memref<512xf32, #tpu.memory_space<vmem>>, %arg12: memref<!tpu.dma_semaphore, #tpu.memory_space<semaphore_mem>>, %arg13: memref<!tpu.dma_semaphore, #tpu.memory_space<semaphore_mem>>, %arg14: memref<!tpu.dma_semaphore, #tpu.memory_space<semaphore_mem>>, %arg15: memref<!tpu.dma_semaphore, #tpu.memory_space<semaphore_mem>>, %arg16: memref<!tpu.dma_semaphore, #tpu.memory_space<semaphore_mem>>, %arg17: memref<!tpu.dma_semaphore, #tpu.memory_space<semaphore_mem>>) attributes {dimension_semantics = [#tpu.dimension_semantics<core_parallel>, #tpu.dimension_semantics<subcore_parallel>], iteration_bounds = array<i64: 2, 16>, scalar_prefetch = 0 : i64, scratch_operands = 13 : i64, tpu.core_type = #tpu.core_type<sc_vector_subcore>, window_params = [{transform_indices = #map}, {transform_indices = #map1}, {transform_indices = #map2}]} {
    %mul3A = arith.constant 2 : i32
    %mul3A_0 = arith.muli %arg1, %mul3A : i32
    %add3A = arith.addi %mul3A_0, %arg0 : i32
    "tpu.region"() ({
      %run_scoped3A = tpu.sem_alloc : memref<!tpu.dma_semaphore, #tpu.memory_space<semaphore_mem>>
      %dma_start3A_37 = arith.constant 0 : i32
      %dma_start3A_38 = arith.constant 0 : i32
      %dma_start3A_39 = tpu.memref_slice %arg3[%dma_start3A_37, %add3A, %dma_start3A_38] : memref<160x32x128xi32, #tpu.memory_space<hbm>> -> memref<160x1x128xi32, #tpu.memory_space<hbm>>
      %dma_start3A_40 = tpu.memref_squeeze %dma_start3A_39 : memref<160x1x128xi32, #tpu.memory_space<hbm>> -> memref<160x128xi32, #tpu.memory_space<hbm>>
      %dma_start3A_41 = arith.constant 0 : i32
      %dma_start3A_42 = arith.constant 0 : i32
      %dma_start3A_43 = tpu.memref_slice %arg3[%dma_start3A_41, %add3A, %dma_start3A_42] : memref<160x32x128xi32, #tpu.memory_space<hbm>> -> memref<160x1x128xi32, #tpu.memory_space<hbm>>
      %dma_start3A_44 = tpu.memref_squeeze %dma_start3A_43 : memref<160x1x128xi32, #tpu.memory_space<hbm>> -> memref<160x128xi32, #tpu.memory_space<hbm>>
      tpu.enqueue_dma source(%dma_start3A_44 : memref<160x128xi32, #tpu.memory_space<hbm>>) target(%arg5 : memref<160x128xi32, #tpu.memory_space<vmem>>) target_semaphore(%run_scoped3A : memref<!tpu.dma_semaphore, #tpu.memory_space<semaphore_mem>>)
      %dma_wait3A_45 = arith.constant 0 : i32
      %dma_wait3A_46 = arith.constant 0 : i32
      %dma_wait3A_47 = tpu.memref_slice %arg3[%dma_wait3A_45, %add3A, %dma_wait3A_46] : memref<160x32x128xi32, #tpu.memory_space<hbm>> -> memref<160x1x128xi32, #tpu.memory_space<hbm>>
      %dma_wait3A_48 = tpu.memref_squeeze %dma_wait3A_47 : memref<160x1x128xi32, #tpu.memory_space<hbm>> -> memref<160x128xi32, #tpu.memory_space<hbm>>
      %dma_wait3A_49 = arith.constant 0 : i32
      %dma_wait3A_50 = arith.constant 0 : i32
      %dma_wait3A_51 = tpu.memref_slice %arg3[%dma_wait3A_49, %add3A, %dma_wait3A_50] : memref<160x32x128xi32, #tpu.memory_space<hbm>> -> memref<160x1x128xi32, #tpu.memory_space<hbm>>
      %dma_wait3A_52 = tpu.memref_squeeze %dma_wait3A_51 : memref<160x1x128xi32, #tpu.memory_space<hbm>> -> memref<160x128xi32, #tpu.memory_space<hbm>>
      tpu.wait_dma2 semaphore(%run_scoped3A : memref<!tpu.dma_semaphore, #tpu.memory_space<semaphore_mem>>) src(%dma_wait3A_52 : memref<160x128xi32, #tpu.memory_space<hbm>>) dst(%arg5 : memref<160x128xi32, #tpu.memory_space<vmem>>)
      tpu.yield
    }) : () -> ()
    %dma_start3A = arith.constant 0 : i32
    %dma_start3A_1 = arith.constant 0 : i32
    %dma_start3A_2 = tpu.memref_slice %arg5[%dma_start3A, %dma_start3A_1] : memref<160x128xi32, #tpu.memory_space<vmem>> -> memref<1x128xi32, #tpu.memory_space<vmem>>
    %dma_start3A_3 = tpu.memref_squeeze %dma_start3A_2 : memref<1x128xi32, #tpu.memory_space<vmem>> -> memref<128xi32, #tpu.memory_space<vmem>>
    %dma_start3A_4 = arith.constant 0 : i32
    %dma_start3A_5 = arith.constant 0 : i32
    %dma_start3A_6 = tpu.memref_slice %arg2[%dma_start3A_4, %dma_start3A_5] : memref<40000x64xf32, #tpu.memory_space<hbm>> -> memref<40000x64xf32, #tpu.memory_space<hbm>>
    tpu.enqueue_indirect_dma source(%dma_start3A_6 : memref<40000x64xf32, #tpu.memory_space<hbm>>) target(%arg6 : memref<128x64xf32, #tpu.memory_space<vmem>>) offsets(%dma_start3A_3 : memref<128xi32, #tpu.memory_space<vmem>>) semaphore(%arg12 : memref<!tpu.dma_semaphore, #tpu.memory_space<semaphore_mem>>)
    %dma_start3A_7 = arith.constant 1 : i32
    %dma_start3A_8 = arith.constant 0 : i32
    %dma_start3A_9 = tpu.memref_slice %arg5[%dma_start3A_7, %dma_start3A_8] : memref<160x128xi32, #tpu.memory_space<vmem>> -> memref<1x128xi32, #tpu.memory_space<vmem>>
    %dma_start3A_10 = tpu.memref_squeeze %dma_start3A_9 : memref<1x128xi32, #tpu.memory_space<vmem>> -> memref<128xi32, #tpu.memory_space<vmem>>
    %dma_start3A_11 = arith.constant 0 : i32
    %dma_start3A_12 = arith.constant 0 : i32
    %dma_start3A_13 = tpu.memref_slice %arg2[%dma_start3A_11, %dma_start3A_12] : memref<40000x64xf32, #tpu.memory_space<hbm>> -> memref<40000x64xf32, #tpu.memory_space<hbm>>
    tpu.enqueue_indirect_dma source(%dma_start3A_13 : memref<40000x64xf32, #tpu.memory_space<hbm>>) target(%arg7 : memref<128x64xf32, #tpu.memory_space<vmem>>) offsets(%dma_start3A_10 : memref<128xi32, #tpu.memory_space<vmem>>) semaphore(%arg13 : memref<!tpu.dma_semaphore, #tpu.memory_space<semaphore_mem>>)
    %dma_start3A_14 = arith.constant 2 : i32
    %dma_start3A_15 = arith.constant 0 : i32
    %dma_start3A_16 = tpu.memref_slice %arg5[%dma_start3A_14, %dma_start3A_15] : memref<160x128xi32, #tpu.memory_space<vmem>> -> memref<1x128xi32, #tpu.memory_space<vmem>>
    %dma_start3A_17 = tpu.memref_squeeze %dma_start3A_16 : memref<1x128xi32, #tpu.memory_space<vmem>> -> memref<128xi32, #tpu.memory_space<vmem>>
    %dma_start3A_18 = arith.constant 0 : i32
    %dma_start3A_19 = arith.constant 0 : i32
    %dma_start3A_20 = tpu.memref_slice %arg2[%dma_start3A_18, %dma_start3A_19] : memref<40000x64xf32, #tpu.memory_space<hbm>> -> memref<40000x64xf32, #tpu.memory_space<hbm>>
    tpu.enqueue_indirect_dma source(%dma_start3A_20 : memref<40000x64xf32, #tpu.memory_space<hbm>>) target(%arg8 : memref<128x64xf32, #tpu.memory_space<vmem>>) offsets(%dma_start3A_17 : memref<128xi32, #tpu.memory_space<vmem>>) semaphore(%arg14 : memref<!tpu.dma_semaphore, #tpu.memory_space<semaphore_mem>>)
    %scan3A = arith.constant 0 : i32
    %scan3A_21 = arith.constant 0 : i32
    %scan3A_22 = arith.constant 53 : i32
    %scan3A_23 = arith.addi %scan3A_21, %scan3A_22 : i32
    %scan3A_24 = arith.constant 1 : i32
    scf.for %scan3A_37 = %scan3A_21 to %scan3A_23 step %scan3A_24  : i32 {
      %mul3A_38 = arith.constant 3 : i32
      %mul3A_39 = arith.muli %scan3A_37, %mul3A_38 : i32
      %add3A_40 = arith.constant 0 : i32
      %add3A_41 = arith.addi %mul3A_39, %add3A_40 : i32
      %mul3A_42 = arith.constant 32 : i32
      %mul3A_43 = arith.muli %add3A_41, %mul3A_42 : i32
      %add3A_44 = arith.addi %mul3A_43, %add3A : i32
      %min3A = arith.constant 4999 : i32
      %min3A_45 = arith.minsi %add3A_44, %min3A : i32
      %mul3A_46 = arith.constant 512 : i32
      %mul3A_47 = arith.muli %min3A_45, %mul3A_46 : i32
      %multiple_of3A = tpu.assume_multiple %mul3A_47, 512 : i32
      %dma_wait3A_48 = arith.constant 0 : i32
      %dma_wait3A_49 = tpu.memref_slice %arg5[%add3A_41, %dma_wait3A_48] : memref<160x128xi32, #tpu.memory_space<vmem>> -> memref<1x128xi32, #tpu.memory_space<vmem>>
      %dma_wait3A_50 = tpu.memref_squeeze %dma_wait3A_49 : memref<1x128xi32, #tpu.memory_space<vmem>> -> memref<128xi32, #tpu.memory_space<vmem>>
      %dma_wait3A_51 = arith.constant 0 : i32
      %dma_wait3A_52 = arith.constant 0 : i32
      %dma_wait3A_53 = tpu.memref_slice %arg2[%dma_wait3A_51, %dma_wait3A_52] : memref<40000x64xf32, #tpu.memory_space<hbm>> -> memref<40000x64xf32, #tpu.memory_space<hbm>>
      tpu.wait_indirect_dma semaphore(%arg12 : memref<!tpu.dma_semaphore, #tpu.memory_space<semaphore_mem>>) src(%dma_wait3A_53 : memref<40000x64xf32, #tpu.memory_space<hbm>>) dst(%arg6 : memref<128x64xf32, #tpu.memory_space<vmem>>)
      %ge3A = arith.constant 3 : i32
      %ge3A_54 = arith.cmpi sge, %add3A_41, %ge3A : i32
      %convert_element_type3A = arith.extui %ge3A_54 : i1 to i32
      %cond3A = arith.constant 0 : i32
      %cond3A_55 = arith.cmpi ne, %convert_element_type3A, %cond3A : i32
      scf.if %cond3A_55 {
        %dma_wait3A_146 = arith.constant 0 : i32
        %dma_wait3A_147 = tpu.memref_slice %arg4[%dma_wait3A_146] : memref<2560000xf32, #tpu.memory_space<hbm>> -> memref<512xf32, #tpu.memory_space<hbm>>
        %dma_wait3A_148 = arith.constant 0 : i32
        %dma_wait3A_149 = tpu.memref_slice %arg4[%dma_wait3A_148] : memref<2560000xf32, #tpu.memory_space<hbm>> -> memref<512xf32, #tpu.memory_space<hbm>>
        tpu.wait_dma2 semaphore(%arg15 : memref<!tpu.dma_semaphore, #tpu.memory_space<semaphore_mem>>) src(%arg9 : memref<512xf32, #tpu.memory_space<vmem>>) dst(%dma_wait3A_149 : memref<512xf32, #tpu.memory_space<hbm>>)
      } else {
      }
      %scan3A_56 = arith.constant 0 : i32
      %scan3A_57 = arith.constant 0 : i32
      %scan3A_58 = arith.constant 8 : i32
      %scan3A_59 = arith.addi %scan3A_57, %scan3A_58 : i32
      %scan3A_60 = arith.constant 1 : i32
      scf.for %scan3A_146 = %scan3A_57 to %scan3A_59 step %scan3A_60  : i32 {
        %mul3A_147 = arith.constant 16 : i32
        %mul3A_148 = arith.muli %scan3A_146, %mul3A_147 : i32
        %get3A = arith.index_cast %mul3A_148 : i32 to index
        %get3A_149 = arith.constant 0 : index
        %get3A_150 = tpu.vector_load %arg6[%get3A, %get3A_149] {strides = array<i32>} : memref<128x64xf32, #tpu.memory_space<vmem>>, vector<16xf32>,
        %bitcast3A = vector.bitcast %get3A_150 : vector<16xf32> to vector<32xbf16>
        %get3A_151 = arith.index_cast %mul3A_148 : i32 to index
        %get3A_152 = arith.constant 16 : index
        %get3A_153 = tpu.vector_load %arg6[%get3A_151, %get3A_152] {strides = array<i32>} : memref<128x64xf32, #tpu.memory_space<vmem>>, vector<16xf32>,
        %bitcast3A_154 = vector.bitcast %get3A_153 : vector<16xf32> to vector<32xbf16>
        %get3A_155 = arith.index_cast %mul3A_148 : i32 to index
        %get3A_156 = arith.constant 32 : index
        %get3A_157 = tpu.vector_load %arg6[%get3A_155, %get3A_156] {strides = array<i32>} : memref<128x64xf32, #tpu.memory_space<vmem>>, vector<16xf32>,
        %bitcast3A_158 = vector.bitcast %get3A_157 : vector<16xf32> to vector<32xbf16>
        %get3A_159 = arith.index_cast %mul3A_148 : i32 to index
        %get3A_160 = arith.constant 48 : index
        %get3A_161 = tpu.vector_load %arg6[%get3A_159, %get3A_160] {strides = array<i32>} : memref<128x64xf32, #tpu.memory_space<vmem>>, vector<16xf32>,
        %bitcast3A_162 = vector.bitcast %get3A_161 : vector<16xf32> to vector<32xbf16>
        %add3A_163 = arith.constant 1 : i32
        %add3A_164 = arith.addi %mul3A_148, %add3A_163 : i32
        %get3A_165 = arith.index_cast %add3A_164 : i32 to index
        %get3A_166 = arith.constant 0 : index
        %get3A_167 = tpu.vector_load %arg6[%get3A_165, %get3A_166] {strides = array<i32>} : memref<128x64xf32, #tpu.memory_space<vmem>>, vector<16xf32>,
        %bitcast3A_168 = vector.bitcast %get3A_167 : vector<16xf32> to vector<32xbf16>
        %add3A_169 = arith.addf %bitcast3A, %bitcast3A_168 : vector<32xbf16>
        %add3A_170 = arith.constant 1 : i32
        %add3A_171 = arith.addi %mul3A_148, %add3A_170 : i32
        %get3A_172 = arith.index_cast %add3A_171 : i32 to index
        %get3A_173 = arith.constant 16 : index
        %get3A_174 = tpu.vector_load %arg6[%get3A_172, %get3A_173] {strides = array<i32>} : memref<128x64xf32, #tpu.memory_space<vmem>>, vector<16xf32>,
        %bitcast3A_175 = vector.bitcast %get3A_174 : vector<16xf32> to vector<32xbf16>
        %add3A_176 = arith.addf %bitcast3A_154, %bitcast3A_175 : vector<32xbf16>
        %add3A_177 = arith.constant 1 : i32
        %add3A_178 = arith.addi %mul3A_148, %add3A_177 : i32
        %get3A_179 = arith.index_cast %add3A_178 : i32 to index
        %get3A_180 = arith.constant 32 : index
        %get3A_181 = tpu.vector_load %arg6[%get3A_179, %get3A_180] {strides = array<i32>} : memref<128x64xf32, #tpu.memory_space<vmem>>, vector<16xf32>,
        %bitcast3A_182 = vector.bitcast %get3A_181 : vector<16xf32> to vector<32xbf16>
        %add3A_183 = arith.addf %bitcast3A_158, %bitcast3A_182 : vector<32xbf16>
        %add3A_184 = arith.constant 1 : i32
        %add3A_185 = arith.addi %mul3A_148, %add3A_184 : i32
        %get3A_186 = arith.index_cast %add3A_185 : i32 to index
        %get3A_187 = arith.constant 48 : index
        %get3A_188 = tpu.vector_load %arg6[%get3A_186, %get3A_187] {strides = array<i32>} : memref<128x64xf32, #tpu.memory_space<vmem>>, vector<16xf32>,
        %bitcast3A_189 = vector.bitcast %get3A_188 : vector<16xf32> to vector<32xbf16>
        %add3A_190 = arith.addf %bitcast3A_162, %bitcast3A_189 : vector<32xbf16>
        %add3A_191 = arith.constant 2 : i32
        %add3A_192 = arith.addi %mul3A_148, %add3A_191 : i32
        %get3A_193 = arith.index_cast %add3A_192 : i32 to index
        %get3A_194 = arith.constant 0 : index
        %get3A_195 = tpu.vector_load %arg6[%get3A_193, %get3A_194] {strides = array<i32>} : memref<128x64xf32, #tpu.memory_space<vmem>>, vector<16xf32>,
        %bitcast3A_196 = vector.bitcast %get3A_195 : vector<16xf32> to vector<32xbf16>
        %add3A_197 = arith.addf %add3A_169, %bitcast3A_196 : vector<32xbf16>
        %add3A_198 = arith.constant 2 : i32
        %add3A_199 = arith.addi %mul3A_148, %add3A_198 : i32
        %get3A_200 = arith.index_cast %add3A_199 : i32 to index
        %get3A_201 = arith.constant 16 : index
        %get3A_202 = tpu.vector_load %arg6[%get3A_200, %get3A_201] {strides = array<i32>} : memref<128x64xf32, #tpu.memory_space<vmem>>, vector<16xf32>,
        %bitcast3A_203 = vector.bitcast %get3A_202 : vector<16xf32> to vector<32xbf16>
        %add3A_204 = arith.addf %add3A_176, %bitcast3A_203 : vector<32xbf16>
        %add3A_205 = arith.constant 2 : i32
        %add3A_206 = arith.addi %mul3A_148, %add3A_205 : i32
        %get3A_207 = arith.index_cast %add3A_206 : i32 to index
        %get3A_208 = arith.constant 32 : index
        %get3A_209 = tpu.vector_load %arg6[%get3A_207, %get3A_208] {strides = array<i32>} : memref<128x64xf32, #tpu.memory_space<vmem>>, vector<16xf32>,
        %bitcast3A_210 = vector.bitcast %get3A_209 : vector<16xf32> to vector<32xbf16>
        %add3A_211 = arith.addf %add3A_183, %bitcast3A_210 : vector<32xbf16>
        %add3A_212 = arith.constant 2 : i32
        %add3A_213 = arith.addi %mul3A_148, %add3A_212 : i32
        %get3A_214 = arith.index_cast %add3A_213 : i32 to index
        %get3A_215 = arith.constant 48 : index
        %get3A_216 = tpu.vector_load %arg6[%get3A_214, %get3A_215] {strides = array<i32>} : memref<128x64xf32, #tpu.memory_space<vmem>>, vector<16xf32>,
        %bitcast3A_217 = vector.bitcast %get3A_216 : vector<16xf32> to vector<32xbf16>
        %add3A_218 = arith.addf %add3A_190, %bitcast3A_217 : vector<32xbf16>
        %add3A_219 = arith.constant 3 : i32
        %add3A_220 = arith.addi %mul3A_148, %add3A_219 : i32
        %get3A_221 = arith.index_cast %add3A_220 : i32 to index
        %get3A_222 = arith.constant 0 : index
        %get3A_223 = tpu.vector_load %arg6[%get3A_221, %get3A_222] {strides = array<i32>} : memref<128x64xf32, #tpu.memory_space<vmem>>, vector<16xf32>,
        %bitcast3A_224 = vector.bitcast %get3A_223 : vector<16xf32> to vector<32xbf16>
        %add3A_225 = arith.addf %add3A_197, %bitcast3A_224 : vector<32xbf16>
        %add3A_226 = arith.constant 3 : i32
        %add3A_227 = arith.addi %mul3A_148, %add3A_226 : i32
        %get3A_228 = arith.index_cast %add3A_227 : i32 to index
        %get3A_229 = arith.constant 16 : index
        %get3A_230 = tpu.vector_load %arg6[%get3A_228, %get3A_229] {strides = array<i32>} : memref<128x64xf32, #tpu.memory_space<vmem>>, vector<16xf32>,
        %bitcast3A_231 = vector.bitcast %get3A_230 : vector<16xf32> to vector<32xbf16>
        %add3A_232 = arith.addf %add3A_204, %bitcast3A_231 : vector<32xbf16>
        %add3A_233 = arith.constant 3 : i32
        %add3A_234 = arith.addi %mul3A_148, %add3A_233 : i32
        %get3A_235 = arith.index_cast %add3A_234 : i32 to index
        %get3A_236 = arith.constant 32 : index
        %get3A_237 = tpu.vector_load %arg6[%get3A_235, %get3A_236] {strides = array<i32>} : memref<128x64xf32, #tpu.memory_space<vmem>>, vector<16xf32>,
        %bitcast3A_238 = vector.bitcast %get3A_237 : vector<16xf32> to vector<32xbf16>
        %add3A_239 = arith.addf %add3A_211, %bitcast3A_238 : vector<32xbf16>
        %add3A_240 = arith.constant 3 : i32
        %add3A_241 = arith.addi %mul3A_148, %add3A_240 : i32
        %get3A_242 = arith.index_cast %add3A_241 : i32 to index
        %get3A_243 = arith.constant 48 : index
        %get3A_244 = tpu.vector_load %arg6[%get3A_242, %get3A_243] {strides = array<i32>} : memref<128x64xf32, #tpu.memory_space<vmem>>, vector<16xf32>,
        %bitcast3A_245 = vector.bitcast %get3A_244 : vector<16xf32> to vector<32xbf16>
        %add3A_246 = arith.addf %add3A_218, %bitcast3A_245 : vector<32xbf16>
        %add3A_247 = arith.constant 4 : i32
        %add3A_248 = arith.addi %mul3A_148, %add3A_247 : i32
        %get3A_249 = arith.index_cast %add3A_248 : i32 to index
        %get3A_250 = arith.constant 0 : index
        %get3A_251 = tpu.vector_load %arg6[%get3A_249, %get3A_250] {strides = array<i32>} : memref<128x64xf32, #tpu.memory_space<vmem>>, vector<16xf32>,
        %bitcast3A_252 = vector.bitcast %get3A_251 : vector<16xf32> to vector<32xbf16>
        %add3A_253 = arith.addf %add3A_225, %bitcast3A_252 : vector<32xbf16>
        %add3A_254 = arith.constant 4 : i32
        %add3A_255 = arith.addi %mul3A_148, %add3A_254 : i32
        %get3A_256 = arith.index_cast %add3A_255 : i32 to index
        %get3A_257 = arith.constant 16 : index
        %get3A_258 = tpu.vector_load %arg6[%get3A_256, %get3A_257] {strides = array<i32>} : memref<128x64xf32, #tpu.memory_space<vmem>>, vector<16xf32>,
        %bitcast3A_259 = vector.bitcast %get3A_258 : vector<16xf32> to vector<32xbf16>
        %add3A_260 = arith.addf %add3A_232, %bitcast3A_259 : vector<32xbf16>
        %add3A_261 = arith.constant 4 : i32
        %add3A_262 = arith.addi %mul3A_148, %add3A_261 : i32
        %get3A_263 = arith.index_cast %add3A_262 : i32 to index
        %get3A_264 = arith.constant 32 : index
        %get3A_265 = tpu.vector_load %arg6[%get3A_263, %get3A_264] {strides = array<i32>} : memref<128x64xf32, #tpu.memory_space<vmem>>, vector<16xf32>,
        %bitcast3A_266 = vector.bitcast %get3A_265 : vector<16xf32> to vector<32xbf16>
        %add3A_267 = arith.addf %add3A_239, %bitcast3A_266 : vector<32xbf16>
        %add3A_268 = arith.constant 4 : i32
        %add3A_269 = arith.addi %mul3A_148, %add3A_268 : i32
        %get3A_270 = arith.index_cast %add3A_269 : i32 to index
        %get3A_271 = arith.constant 48 : index
        %get3A_272 = tpu.vector_load %arg6[%get3A_270, %get3A_271] {strides = array<i32>} : memref<128x64xf32, #tpu.memory_space<vmem>>, vector<16xf32>,
        %bitcast3A_273 = vector.bitcast %get3A_272 : vector<16xf32> to vector<32xbf16>
        %add3A_274 = arith.addf %add3A_246, %bitcast3A_273 : vector<32xbf16>
        %add3A_275 = arith.constant 5 : i32
        %add3A_276 = arith.addi %mul3A_148, %add3A_275 : i32
        %get3A_277 = arith.index_cast %add3A_276 : i32 to index
        %get3A_278 = arith.constant 0 : index
        %get3A_279 = tpu.vector_load %arg6[%get3A_277, %get3A_278] {strides = array<i32>} : memref<128x64xf32, #tpu.memory_space<vmem>>, vector<16xf32>,
        %bitcast3A_280 = vector.bitcast %get3A_279 : vector<16xf32> to vector<32xbf16>
        %add3A_281 = arith.addf %add3A_253, %bitcast3A_280 : vector<32xbf16>
        %add3A_282 = arith.constant 5 : i32
        %add3A_283 = arith.addi %mul3A_148, %add3A_282 : i32
        %get3A_284 = arith.index_cast %add3A_283 : i32 to index
        %get3A_285 = arith.constant 16 : index
        %get3A_286 = tpu.vector_load %arg6[%get3A_284, %get3A_285] {strides = array<i32>} : memref<128x64xf32, #tpu.memory_space<vmem>>, vector<16xf32>,
        %bitcast3A_287 = vector.bitcast %get3A_286 : vector<16xf32> to vector<32xbf16>
        %add3A_288 = arith.addf %add3A_260, %bitcast3A_287 : vector<32xbf16>
        %add3A_289 = arith.constant 5 : i32
        %add3A_290 = arith.addi %mul3A_148, %add3A_289 : i32
        %get3A_291 = arith.index_cast %add3A_290 : i32 to index
        %get3A_292 = arith.constant 32 : index
        %get3A_293 = tpu.vector_load %arg6[%get3A_291, %get3A_292] {strides = array<i32>} : memref<128x64xf32, #tpu.memory_space<vmem>>, vector<16xf32>,
        %bitcast3A_294 = vector.bitcast %get3A_293 : vector<16xf32> to vector<32xbf16>
        %add3A_295 = arith.addf %add3A_267, %bitcast3A_294 : vector<32xbf16>
        %add3A_296 = arith.constant 5 : i32
        %add3A_297 = arith.addi %mul3A_148, %add3A_296 : i32
        %get3A_298 = arith.index_cast %add3A_297 : i32 to index
        %get3A_299 = arith.constant 48 : index
        %get3A_300 = tpu.vector_load %arg6[%get3A_298, %get3A_299] {strides = array<i32>} : memref<128x64xf32, #tpu.memory_space<vmem>>, vector<16xf32>,
        %bitcast3A_301 = vector.bitcast %get3A_300 : vector<16xf32> to vector<32xbf16>
        %add3A_302 = arith.addf %add3A_274, %bitcast3A_301 : vector<32xbf16>
        %add3A_303 = arith.constant 6 : i32
        %add3A_304 = arith.addi %mul3A_148, %add3A_303 : i32
        %get3A_305 = arith.index_cast %add3A_304 : i32 to index
        %get3A_306 = arith.constant 0 : index
        %get3A_307 = tpu.vector_load %arg6[%get3A_305, %get3A_306] {strides = array<i32>} : memref<128x64xf32, #tpu.memory_space<vmem>>, vector<16xf32>,
        %bitcast3A_308 = vector.bitcast %get3A_307 : vector<16xf32> to vector<32xbf16>
        %add3A_309 = arith.addf %add3A_281, %bitcast3A_308 : vector<32xbf16>
        %add3A_310 = arith.constant 6 : i32
        %add3A_311 = arith.addi %mul3A_148, %add3A_310 : i32
        %get3A_312 = arith.index_cast %add3A_311 : i32 to index
        %get3A_313 = arith.constant 16 : index
        %get3A_314 = tpu.vector_load %arg6[%get3A_312, %get3A_313] {strides = array<i32>} : memref<128x64xf32, #tpu.memory_space<vmem>>, vector<16xf32>,
        %bitcast3A_315 = vector.bitcast %get3A_314 : vector<16xf32> to vector<32xbf16>
        %add3A_316 = arith.addf %add3A_288, %bitcast3A_315 : vector<32xbf16>
        %add3A_317 = arith.constant 6 : i32
        %add3A_318 = arith.addi %mul3A_148, %add3A_317 : i32
        %get3A_319 = arith.index_cast %add3A_318 : i32 to index
        %get3A_320 = arith.constant 32 : index
        %get3A_321 = tpu.vector_load %arg6[%get3A_319, %get3A_320] {strides = array<i32>} : memref<128x64xf32, #tpu.memory_space<vmem>>, vector<16xf32>,
        %bitcast3A_322 = vector.bitcast %get3A_321 : vector<16xf32> to vector<32xbf16>
        %add3A_323 = arith.addf %add3A_295, %bitcast3A_322 : vector<32xbf16>
        %add3A_324 = arith.constant 6 : i32
        %add3A_325 = arith.addi %mul3A_148, %add3A_324 : i32
        %get3A_326 = arith.index_cast %add3A_325 : i32 to index
        %get3A_327 = arith.constant 48 : index
        %get3A_328 = tpu.vector_load %arg6[%get3A_326, %get3A_327] {strides = array<i32>} : memref<128x64xf32, #tpu.memory_space<vmem>>, vector<16xf32>,
        %bitcast3A_329 = vector.bitcast %get3A_328 : vector<16xf32> to vector<32xbf16>
        %add3A_330 = arith.addf %add3A_302, %bitcast3A_329 : vector<32xbf16>
        %add3A_331 = arith.constant 7 : i32
        %add3A_332 = arith.addi %mul3A_148, %add3A_331 : i32
        %get3A_333 = arith.index_cast %add3A_332 : i32 to index
        %get3A_334 = arith.constant 0 : index
        %get3A_335 = tpu.vector_load %arg6[%get3A_333, %get3A_334] {strides = array<i32>} : memref<128x64xf32, #tpu.memory_space<vmem>>, vector<16xf32>,
        %bitcast3A_336 = vector.bitcast %get3A_335 : vector<16xf32> to vector<32xbf16>
        %add3A_337 = arith.addf %add3A_309, %bitcast3A_336 : vector<32xbf16>
        %add3A_338 = arith.constant 7 : i32
        %add3A_339 = arith.addi %mul3A_148, %add3A_338 : i32
        %get3A_340 = arith.index_cast %add3A_339 : i32 to index
        %get3A_341 = arith.constant 16 : index
        %get3A_342 = tpu.vector_load %arg6[%get3A_340, %get3A_341] {strides = array<i32>} : memref<128x64xf32, #tpu.memory_space<vmem>>, vector<16xf32>,
        %bitcast3A_343 = vector.bitcast %get3A_342 : vector<16xf32> to vector<32xbf16>
        %add3A_344 = arith.addf %add3A_316, %bitcast3A_343 : vector<32xbf16>
        %add3A_345 = arith.constant 7 : i32
        %add3A_346 = arith.addi %mul3A_148, %add3A_345 : i32
        %get3A_347 = arith.index_cast %add3A_346 : i32 to index
        %get3A_348 = arith.constant 32 : index
        %get3A_349 = tpu.vector_load %arg6[%get3A_347, %get3A_348] {strides = array<i32>} : memref<128x64xf32, #tpu.memory_space<vmem>>, vector<16xf32>,
        %bitcast3A_350 = vector.bitcast %get3A_349 : vector<16xf32> to vector<32xbf16>
        %add3A_351 = arith.addf %add3A_323, %bitcast3A_350 : vector<32xbf16>
        %add3A_352 = arith.constant 7 : i32
        %add3A_353 = arith.addi %mul3A_148, %add3A_352 : i32
        %get3A_354 = arith.index_cast %add3A_353 : i32 to index
        %get3A_355 = arith.constant 48 : index
        %get3A_356 = tpu.vector_load %arg6[%get3A_354, %get3A_355] {strides = array<i32>} : memref<128x64xf32, #tpu.memory_space<vmem>>, vector<16xf32>,
        %bitcast3A_357 = vector.bitcast %get3A_356 : vector<16xf32> to vector<32xbf16>
        %add3A_358 = arith.addf %add3A_330, %bitcast3A_357 : vector<32xbf16>
        %add3A_359 = arith.constant 8 : i32
        %add3A_360 = arith.addi %mul3A_148, %add3A_359 : i32
        %get3A_361 = arith.index_cast %add3A_360 : i32 to index
        %get3A_362 = arith.constant 0 : index
        %get3A_363 = tpu.vector_load %arg6[%get3A_361, %get3A_362] {strides = array<i32>} : memref<128x64xf32, #tpu.memory_space<vmem>>, vector<16xf32>,
        %bitcast3A_364 = vector.bitcast %get3A_363 : vector<16xf32> to vector<32xbf16>
        %add3A_365 = arith.addf %add3A_337, %bitcast3A_364 : vector<32xbf16>
        %add3A_366 = arith.constant 8 : i32
        %add3A_367 = arith.addi %mul3A_148, %add3A_366 : i32
        %get3A_368 = arith.index_cast %add3A_367 : i32 to index
        %get3A_369 = arith.constant 16 : index
        %get3A_370 = tpu.vector_load %arg6[%get3A_368, %get3A_369] {strides = array<i32>} : memref<128x64xf32, #tpu.memory_space<vmem>>, vector<16xf32>,
        %bitcast3A_371 = vector.bitcast %get3A_370 : vector<16xf32> to vector<32xbf16>
        %add3A_372 = arith.addf %add3A_344, %bitcast3A_371 : vector<32xbf16>
        %add3A_373 = arith.constant 8 : i32
        %add3A_374 = arith.addi %mul3A_148, %add3A_373 : i32
        %get3A_375 = arith.index_cast %add3A_374 : i32 to index
        %get3A_376 = arith.constant 32 : index
        %get3A_377 = tpu.vector_load %arg6[%get3A_375, %get3A_376] {strides = array<i32>} : memref<128x64xf32, #tpu.memory_space<vmem>>, vector<16xf32>,
        %bitcast3A_378 = vector.bitcast %get3A_377 : vector<16xf32> to vector<32xbf16>
        %add3A_379 = arith.addf %add3A_351, %bitcast3A_378 : vector<32xbf16>
        %add3A_380 = arith.constant 8 : i32
        %add3A_381 = arith.addi %mul3A_148, %add3A_380 : i32
        %get3A_382 = arith.index_cast %add3A_381 : i32 to index
        %get3A_383 = arith.constant 48 : index
        %get3A_384 = tpu.vector_load %arg6[%get3A_382, %get3A_383] {strides = array<i32>} : memref<128x64xf32, #tpu.memory_space<vmem>>, vector<16xf32>,
        %bitcast3A_385 = vector.bitcast %get3A_384 : vector<16xf32> to vector<32xbf16>
        %add3A_386 = arith.addf %add3A_358, %bitcast3A_385 : vector<32xbf16>
        %add3A_387 = arith.constant 9 : i32
        %add3A_388 = arith.addi %mul3A_148, %add3A_387 : i32
        %get3A_389 = arith.index_cast %add3A_388 : i32 to index
        %get3A_390 = arith.constant 0 : index
        %get3A_391 = tpu.vector_load %arg6[%get3A_389, %get3A_390] {strides = array<i32>} : memref<128x64xf32, #tpu.memory_space<vmem>>, vector<16xf32>,
        %bitcast3A_392 = vector.bitcast %get3A_391 : vector<16xf32> to vector<32xbf16>
        %add3A_393 = arith.addf %add3A_365, %bitcast3A_392 : vector<32xbf16>
        %add3A_394 = arith.constant 9 : i32
        %add3A_395 = arith.addi %mul3A_148, %add3A_394 : i32
        %get3A_396 = arith.index_cast %add3A_395 : i32 to index
        %get3A_397 = arith.constant 16 : index
        %get3A_398 = tpu.vector_load %arg6[%get3A_396, %get3A_397] {strides = array<i32>} : memref<128x64xf32, #tpu.memory_space<vmem>>, vector<16xf32>,
        %bitcast3A_399 = vector.bitcast %get3A_398 : vector<16xf32> to vector<32xbf16>
        %add3A_400 = arith.addf %add3A_372, %bitcast3A_399 : vector<32xbf16>
        %add3A_401 = arith.constant 9 : i32
        %add3A_402 = arith.addi %mul3A_148, %add3A_401 : i32
        %get3A_403 = arith.index_cast %add3A_402 : i32 to index
        %get3A_404 = arith.constant 32 : index
        %get3A_405 = tpu.vector_load %arg6[%get3A_403, %get3A_404] {strides = array<i32>} : memref<128x64xf32, #tpu.memory_space<vmem>>, vector<16xf32>,
        %bitcast3A_406 = vector.bitcast %get3A_405 : vector<16xf32> to vector<32xbf16>
        %add3A_407 = arith.addf %add3A_379, %bitcast3A_406 : vector<32xbf16>
        %add3A_408 = arith.constant 9 : i32
        %add3A_409 = arith.addi %mul3A_148, %add3A_408 : i32
        %get3A_410 = arith.index_cast %add3A_409 : i32 to index
        %get3A_411 = arith.constant 48 : index
        %get3A_412 = tpu.vector_load %arg6[%get3A_410, %get3A_411] {strides = array<i32>} : memref<128x64xf32, #tpu.memory_space<vmem>>, vector<16xf32>,
        %bitcast3A_413 = vector.bitcast %get3A_412 : vector<16xf32> to vector<32xbf16>
        %add3A_414 = arith.addf %add3A_386, %bitcast3A_413 : vector<32xbf16>
        %add3A_415 = arith.constant 10 : i32
        %add3A_416 = arith.addi %mul3A_148, %add3A_415 : i32
        %get3A_417 = arith.index_cast %add3A_416 : i32 to index
        %get3A_418 = arith.constant 0 : index
        %get3A_419 = tpu.vector_load %arg6[%get3A_417, %get3A_418] {strides = array<i32>} : memref<128x64xf32, #tpu.memory_space<vmem>>, vector<16xf32>,
        %bitcast3A_420 = vector.bitcast %get3A_419 : vector<16xf32> to vector<32xbf16>
        %add3A_421 = arith.addf %add3A_393, %bitcast3A_420 : vector<32xbf16>
        %add3A_422 = arith.constant 10 : i32
        %add3A_423 = arith.addi %mul3A_148, %add3A_422 : i32
        %get3A_424 = arith.index_cast %add3A_423 : i32 to index
        %get3A_425 = arith.constant 16 : index
        %get3A_426 = tpu.vector_load %arg6[%get3A_424, %get3A_425] {strides = array<i32>} : memref<128x64xf32, #tpu.memory_space<vmem>>, vector<16xf32>,
        %bitcast3A_427 = vector.bitcast %get3A_426 : vector<16xf32> to vector<32xbf16>
        %add3A_428 = arith.addf %add3A_400, %bitcast3A_427 : vector<32xbf16>
        %add3A_429 = arith.constant 10 : i32
        %add3A_430 = arith.addi %mul3A_148, %add3A_429 : i32
        %get3A_431 = arith.index_cast %add3A_430 : i32 to index
        %get3A_432 = arith.constant 32 : index
        %get3A_433 = tpu.vector_load %arg6[%get3A_431, %get3A_432] {strides = array<i32>} : memref<128x64xf32, #tpu.memory_space<vmem>>, vector<16xf32>,
        %bitcast3A_434 = vector.bitcast %get3A_433 : vector<16xf32> to vector<32xbf16>
        %add3A_435 = arith.addf %add3A_407, %bitcast3A_434 : vector<32xbf16>
        %add3A_436 = arith.constant 10 : i32
        %add3A_437 = arith.addi %mul3A_148, %add3A_436 : i32
        %get3A_438 = arith.index_cast %add3A_437 : i32 to index
        %get3A_439 = arith.constant 48 : index
        %get3A_440 = tpu.vector_load %arg6[%get3A_438, %get3A_439] {strides = array<i32>} : memref<128x64xf32, #tpu.memory_space<vmem>>, vector<16xf32>,
        %bitcast3A_441 = vector.bitcast %get3A_440 : vector<16xf32> to vector<32xbf16>
        %add3A_442 = arith.addf %add3A_414, %bitcast3A_441 : vector<32xbf16>
        %add3A_443 = arith.constant 11 : i32
        %add3A_444 = arith.addi %mul3A_148, %add3A_443 : i32
        %get3A_445 = arith.index_cast %add3A_444 : i32 to index
        %get3A_446 = arith.constant 0 : index
        %get3A_447 = tpu.vector_load %arg6[%get3A_445, %get3A_446] {strides = array<i32>} : memref<128x64xf32, #tpu.memory_space<vmem>>, vector<16xf32>,
        %bitcast3A_448 = vector.bitcast %get3A_447 : vector<16xf32> to vector<32xbf16>
        %add3A_449 = arith.addf %add3A_421, %bitcast3A_448 : vector<32xbf16>
        %add3A_450 = arith.constant 11 : i32
        %add3A_451 = arith.addi %mul3A_148, %add3A_450 : i32
        %get3A_452 = arith.index_cast %add3A_451 : i32 to index
        %get3A_453 = arith.constant 16 : index
        %get3A_454 = tpu.vector_load %arg6[%get3A_452, %get3A_453] {strides = array<i32>} : memref<128x64xf32, #tpu.memory_space<vmem>>, vector<16xf32>,
        %bitcast3A_455 = vector.bitcast %get3A_454 : vector<16xf32> to vector<32xbf16>
        %add3A_456 = arith.addf %add3A_428, %bitcast3A_455 : vector<32xbf16>
        %add3A_457 = arith.constant 11 : i32
        %add3A_458 = arith.addi %mul3A_148, %add3A_457 : i32
        %get3A_459 = arith.index_cast %add3A_458 : i32 to index
        %get3A_460 = arith.constant 32 : index
        %get3A_461 = tpu.vector_load %arg6[%get3A_459, %get3A_460] {strides = array<i32>} : memref<128x64xf32, #tpu.memory_space<vmem>>, vector<16xf32>,
        %bitcast3A_462 = vector.bitcast %get3A_461 : vector<16xf32> to vector<32xbf16>
        %add3A_463 = arith.addf %add3A_435, %bitcast3A_462 : vector<32xbf16>
        %add3A_464 = arith.constant 11 : i32
        %add3A_465 = arith.addi %mul3A_148, %add3A_464 : i32
        %get3A_466 = arith.index_cast %add3A_465 : i32 to index
        %get3A_467 = arith.constant 48 : index
        %get3A_468 = tpu.vector_load %arg6[%get3A_466, %get3A_467] {strides = array<i32>} : memref<128x64xf32, #tpu.memory_space<vmem>>, vector<16xf32>,
        %bitcast3A_469 = vector.bitcast %get3A_468 : vector<16xf32> to vector<32xbf16>
        %add3A_470 = arith.addf %add3A_442, %bitcast3A_469 : vector<32xbf16>
        %add3A_471 = arith.constant 12 : i32
        %add3A_472 = arith.addi %mul3A_148, %add3A_471 : i32
        %get3A_473 = arith.index_cast %add3A_472 : i32 to index
        %get3A_474 = arith.constant 0 : index
        %get3A_475 = tpu.vector_load %arg6[%get3A_473, %get3A_474] {strides = array<i32>} : memref<128x64xf32, #tpu.memory_space<vmem>>, vector<16xf32>,
        %bitcast3A_476 = vector.bitcast %get3A_475 : vector<16xf32> to vector<32xbf16>
        %add3A_477 = arith.addf %add3A_449, %bitcast3A_476 : vector<32xbf16>
        %add3A_478 = arith.constant 12 : i32
        %add3A_479 = arith.addi %mul3A_148, %add3A_478 : i32
        %get3A_480 = arith.index_cast %add3A_479 : i32 to index
        %get3A_481 = arith.constant 16 : index
        %get3A_482 = tpu.vector_load %arg6[%get3A_480, %get3A_481] {strides = array<i32>} : memref<128x64xf32, #tpu.memory_space<vmem>>, vector<16xf32>,
        %bitcast3A_483 = vector.bitcast %get3A_482 : vector<16xf32> to vector<32xbf16>
        %add3A_484 = arith.addf %add3A_456, %bitcast3A_483 : vector<32xbf16>
        %add3A_485 = arith.constant 12 : i32
        %add3A_486 = arith.addi %mul3A_148, %add3A_485 : i32
        %get3A_487 = arith.index_cast %add3A_486 : i32 to index
        %get3A_488 = arith.constant 32 : index
        %get3A_489 = tpu.vector_load %arg6[%get3A_487, %get3A_488] {strides = array<i32>} : memref<128x64xf32, #tpu.memory_space<vmem>>, vector<16xf32>,
        %bitcast3A_490 = vector.bitcast %get3A_489 : vector<16xf32> to vector<32xbf16>
        %add3A_491 = arith.addf %add3A_463, %bitcast3A_490 : vector<32xbf16>
        %add3A_492 = arith.constant 12 : i32
        %add3A_493 = arith.addi %mul3A_148, %add3A_492 : i32
        %get3A_494 = arith.index_cast %add3A_493 : i32 to index
        %get3A_495 = arith.constant 48 : index
        %get3A_496 = tpu.vector_load %arg6[%get3A_494, %get3A_495] {strides = array<i32>} : memref<128x64xf32, #tpu.memory_space<vmem>>, vector<16xf32>,
        %bitcast3A_497 = vector.bitcast %get3A_496 : vector<16xf32> to vector<32xbf16>
        %add3A_498 = arith.addf %add3A_470, %bitcast3A_497 : vector<32xbf16>
        %add3A_499 = arith.constant 13 : i32
        %add3A_500 = arith.addi %mul3A_148, %add3A_499 : i32
        %get3A_501 = arith.index_cast %add3A_500 : i32 to index
        %get3A_502 = arith.constant 0 : index
        %get3A_503 = tpu.vector_load %arg6[%get3A_501, %get3A_502] {strides = array<i32>} : memref<128x64xf32, #tpu.memory_space<vmem>>, vector<16xf32>,
        %bitcast3A_504 = vector.bitcast %get3A_503 : vector<16xf32> to vector<32xbf16>
        %add3A_505 = arith.addf %add3A_477, %bitcast3A_504 : vector<32xbf16>
        %add3A_506 = arith.constant 13 : i32
        %add3A_507 = arith.addi %mul3A_148, %add3A_506 : i32
        %get3A_508 = arith.index_cast %add3A_507 : i32 to index
        %get3A_509 = arith.constant 16 : index
        %get3A_510 = tpu.vector_load %arg6[%get3A_508, %get3A_509] {strides = array<i32>} : memref<128x64xf32, #tpu.memory_space<vmem>>, vector<16xf32>,
        %bitcast3A_511 = vector.bitcast %get3A_510 : vector<16xf32> to vector<32xbf16>
        %add3A_512 = arith.addf %add3A_484, %bitcast3A_511 : vector<32xbf16>
        %add3A_513 = arith.constant 13 : i32
        %add3A_514 = arith.addi %mul3A_148, %add3A_513 : i32
        %get3A_515 = arith.index_cast %add3A_514 : i32 to index
        %get3A_516 = arith.constant 32 : index
        %get3A_517 = tpu.vector_load %arg6[%get3A_515, %get3A_516] {strides = array<i32>} : memref<128x64xf32, #tpu.memory_space<vmem>>, vector<16xf32>,
        %bitcast3A_518 = vector.bitcast %get3A_517 : vector<16xf32> to vector<32xbf16>
        %add3A_519 = arith.addf %add3A_491, %bitcast3A_518 : vector<32xbf16>
        %add3A_520 = arith.constant 13 : i32
        %add3A_521 = arith.addi %mul3A_148, %add3A_520 : i32
        %get3A_522 = arith.index_cast %add3A_521 : i32 to index
        %get3A_523 = arith.constant 48 : index
        %get3A_524 = tpu.vector_load %arg6[%get3A_522, %get3A_523] {strides = array<i32>} : memref<128x64xf32, #tpu.memory_space<vmem>>, vector<16xf32>,
        %bitcast3A_525 = vector.bitcast %get3A_524 : vector<16xf32> to vector<32xbf16>
        %add3A_526 = arith.addf %add3A_498, %bitcast3A_525 : vector<32xbf16>
        %add3A_527 = arith.constant 14 : i32
        %add3A_528 = arith.addi %mul3A_148, %add3A_527 : i32
        %get3A_529 = arith.index_cast %add3A_528 : i32 to index
        %get3A_530 = arith.constant 0 : index
        %get3A_531 = tpu.vector_load %arg6[%get3A_529, %get3A_530] {strides = array<i32>} : memref<128x64xf32, #tpu.memory_space<vmem>>, vector<16xf32>,
        %bitcast3A_532 = vector.bitcast %get3A_531 : vector<16xf32> to vector<32xbf16>
        %add3A_533 = arith.addf %add3A_505, %bitcast3A_532 : vector<32xbf16>
        %add3A_534 = arith.constant 14 : i32
        %add3A_535 = arith.addi %mul3A_148, %add3A_534 : i32
        %get3A_536 = arith.index_cast %add3A_535 : i32 to index
        %get3A_537 = arith.constant 16 : index
        %get3A_538 = tpu.vector_load %arg6[%get3A_536, %get3A_537] {strides = array<i32>} : memref<128x64xf32, #tpu.memory_space<vmem>>, vector<16xf32>,
        %bitcast3A_539 = vector.bitcast %get3A_538 : vector<16xf32> to vector<32xbf16>
        %add3A_540 = arith.addf %add3A_512, %bitcast3A_539 : vector<32xbf16>
        %add3A_541 = arith.constant 14 : i32
        %add3A_542 = arith.addi %mul3A_148, %add3A_541 : i32
        %get3A_543 = arith.index_cast %add3A_542 : i32 to index
        %get3A_544 = arith.constant 32 : index
        %get3A_545 = tpu.vector_load %arg6[%get3A_543, %get3A_544] {strides = array<i32>} : memref<128x64xf32, #tpu.memory_space<vmem>>, vector<16xf32>,
        %bitcast3A_546 = vector.bitcast %get3A_545 : vector<16xf32> to vector<32xbf16>
        %add3A_547 = arith.addf %add3A_519, %bitcast3A_546 : vector<32xbf16>
        %add3A_548 = arith.constant 14 : i32
        %add3A_549 = arith.addi %mul3A_148, %add3A_548 : i32
        %get3A_550 = arith.index_cast %add3A_549 : i32 to index
        %get3A_551 = arith.constant 48 : index
        %get3A_552 = tpu.vector_load %arg6[%get3A_550, %get3A_551] {strides = array<i32>} : memref<128x64xf32, #tpu.memory_space<vmem>>, vector<16xf32>,
        %bitcast3A_553 = vector.bitcast %get3A_552 : vector<16xf32> to vector<32xbf16>
        %add3A_554 = arith.addf %add3A_526, %bitcast3A_553 : vector<32xbf16>
        %add3A_555 = arith.constant 15 : i32
        %add3A_556 = arith.addi %mul3A_148, %add3A_555 : i32
        %get3A_557 = arith.index_cast %add3A_556 : i32 to index
        %get3A_558 = arith.constant 0 : index
        %get3A_559 = tpu.vector_load %arg6[%get3A_557, %get3A_558] {strides = array<i32>} : memref<128x64xf32, #tpu.memory_space<vmem>>, vector<16xf32>,
        %bitcast3A_560 = vector.bitcast %get3A_559 : vector<16xf32> to vector<32xbf16>
        %add3A_561 = arith.addf %add3A_533, %bitcast3A_560 : vector<32xbf16>
        %add3A_562 = arith.constant 15 : i32
        %add3A_563 = arith.addi %mul3A_148, %add3A_562 : i32
        %get3A_564 = arith.index_cast %add3A_563 : i32 to index
        %get3A_565 = arith.constant 16 : index
        %get3A_566 = tpu.vector_load %arg6[%get3A_564, %get3A_565] {strides = array<i32>} : memref<128x64xf32, #tpu.memory_space<vmem>>, vector<16xf32>,
        %bitcast3A_567 = vector.bitcast %get3A_566 : vector<16xf32> to vector<32xbf16>
        %add3A_568 = arith.addf %add3A_540, %bitcast3A_567 : vector<32xbf16>
        %add3A_569 = arith.constant 15 : i32
        %add3A_570 = arith.addi %mul3A_148, %add3A_569 : i32
        %get3A_571 = arith.index_cast %add3A_570 : i32 to index
        %get3A_572 = arith.constant 32 : index
        %get3A_573 = tpu.vector_load %arg6[%get3A_571, %get3A_572] {strides = array<i32>} : memref<128x64xf32, #tpu.memory_space<vmem>>, vector<16xf32>,
        %bitcast3A_574 = vector.bitcast %get3A_573 : vector<16xf32> to vector<32xbf16>
        %add3A_575 = arith.addf %add3A_547, %bitcast3A_574 : vector<32xbf16>
        %add3A_576 = arith.constant 15 : i32
        %add3A_577 = arith.addi %mul3A_148, %add3A_576 : i32
        %get3A_578 = arith.index_cast %add3A_577 : i32 to index
        %get3A_579 = arith.constant 48 : index
        %get3A_580 = tpu.vector_load %arg6[%get3A_578, %get3A_579] {strides = array<i32>} : memref<128x64xf32, #tpu.memory_space<vmem>>, vector<16xf32>,
        %bitcast3A_581 = vector.bitcast %get3A_580 : vector<16xf32> to vector<32xbf16>
        %add3A_582 = arith.addf %add3A_554, %bitcast3A_581 : vector<32xbf16>
        %bitcast3A_583 = vector.bitcast %add3A_561 : vector<32xbf16> to vector<16xf32>
        %mul3A_584 = arith.constant 64 : i32
        %mul3A_585 = arith.muli %scan3A_146, %mul3A_584 : i32
        %add3A_586 = arith.constant 0 : i32
        %add3A_587 = arith.addi %mul3A_585, %add3A_586 : i32
        %swap3A = arith.index_cast %add3A_587 : i32 to index
        %swap3A_588 = tpu.vector_load %arg9[%swap3A] {strides = array<i32>} : memref<512xf32, #tpu.memory_space<vmem>>, vector<16xf32>,
        tpu.vector_store %arg9[%swap3A], %bitcast3A_583 {strides = array<i32>} : memref<512xf32, #tpu.memory_space<vmem>>, vector<16xf32>,
        %bitcast3A_589 = vector.bitcast %add3A_568 : vector<32xbf16> to vector<16xf32>
        %mul3A_590 = arith.constant 64 : i32
        %mul3A_591 = arith.muli %scan3A_146, %mul3A_590 : i32
        %add3A_592 = arith.constant 16 : i32
        %add3A_593 = arith.addi %mul3A_591, %add3A_592 : i32
        %swap3A_594 = arith.index_cast %add3A_593 : i32 to index
        %swap3A_595 = tpu.vector_load %arg9[%swap3A_594] {strides = array<i32>} : memref<512xf32, #tpu.memory_space<vmem>>, vector<16xf32>,
        tpu.vector_store %arg9[%swap3A_594], %bitcast3A_589 {strides = array<i32>} : memref<512xf32, #tpu.memory_space<vmem>>, vector<16xf32>,
        %bitcast3A_596 = vector.bitcast %add3A_575 : vector<32xbf16> to vector<16xf32>
        %mul3A_597 = arith.constant 64 : i32
        %mul3A_598 = arith.muli %scan3A_146, %mul3A_597 : i32
        %add3A_599 = arith.constant 32 : i32
        %add3A_600 = arith.addi %mul3A_598, %add3A_599 : i32
        %swap3A_601 = arith.index_cast %add3A_600 : i32 to index
        %swap3A_602 = tpu.vector_load %arg9[%swap3A_601] {strides = array<i32>} : memref<512xf32, #tpu.memory_space<vmem>>, vector<16xf32>,
        tpu.vector_store %arg9[%swap3A_601], %bitcast3A_596 {strides = array<i32>} : memref<512xf32, #tpu.memory_space<vmem>>, vector<16xf32>,
        %bitcast3A_603 = vector.bitcast %add3A_582 : vector<32xbf16> to vector<16xf32>
        %mul3A_604 = arith.constant 64 : i32
        %mul3A_605 = arith.muli %scan3A_146, %mul3A_604 : i32
        %add3A_606 = arith.constant 48 : i32
        %add3A_607 = arith.addi %mul3A_605, %add3A_606 : i32
        %swap3A_608 = arith.index_cast %add3A_607 : i32 to index
        %swap3A_609 = tpu.vector_load %arg9[%swap3A_608] {strides = array<i32>} : memref<512xf32, #tpu.memory_space<vmem>>, vector<16xf32>,
        tpu.vector_store %arg9[%swap3A_608], %bitcast3A_603 {strides = array<i32>} : memref<512xf32, #tpu.memory_space<vmem>>, vector<16xf32>,
      }
      %scan3A_61 = arith.constant 8 : i32
      %add3A_62 = arith.constant 3 : i32
      %add3A_63 = arith.addi %add3A_41, %add3A_62 : i32
      %lt3A = arith.constant 159 : i32
      %lt3A_64 = arith.cmpi slt, %add3A_63, %lt3A : i32
      %convert_element_type3A_65 = arith.extui %lt3A_64 : i1 to i32
      %cond3A_66 = arith.constant 0 : i32
      %cond3A_67 = arith.cmpi ne, %convert_element_type3A_65, %cond3A_66 : i32
      scf.if %cond3A_67 {
        %add3A_146 = arith.constant 3 : i32
        %add3A_147 = arith.addi %add3A_41, %add3A_146 : i32
        %dma_start3A_148 = arith.constant 0 : i32
        %dma_start3A_149 = tpu.memref_slice %arg5[%add3A_147, %dma_start3A_148] : memref<160x128xi32, #tpu.memory_space<vmem>> -> memref<1x128xi32, #tpu.memory_space<vmem>>
        %dma_start3A_150 = tpu.memref_squeeze %dma_start3A_149 : memref<1x128xi32, #tpu.memory_space<vmem>> -> memref<128xi32, #tpu.memory_space<vmem>>
        %dma_start3A_151 = arith.constant 0 : i32
        %dma_start3A_152 = arith.constant 0 : i32
        %dma_start3A_153 = tpu.memref_slice %arg2[%dma_start3A_151, %dma_start3A_152] : memref<40000x64xf32, #tpu.memory_space<hbm>> -> memref<40000x64xf32, #tpu.memory_space<hbm>>
        tpu.enqueue_indirect_dma source(%dma_start3A_153 : memref<40000x64xf32, #tpu.memory_space<hbm>>) target(%arg6 : memref<128x64xf32, #tpu.memory_space<vmem>>) offsets(%dma_start3A_150 : memref<128xi32, #tpu.memory_space<vmem>>) semaphore(%arg12 : memref<!tpu.dma_semaphore, #tpu.memory_space<semaphore_mem>>)
      } else {
      }
      %dma_start3A_68 = tpu.memref_slice %arg4[%multiple_of3A] : memref<2560000xf32, #tpu.memory_space<hbm>> -> memref<512xf32, #tpu.memory_space<hbm>>
      %dma_start3A_69 = tpu.memref_slice %arg4[%multiple_of3A] : memref<2560000xf32, #tpu.memory_space<hbm>> -> memref<512xf32, #tpu.memory_space<hbm>>
      tpu.enqueue_dma source(%arg9 : memref<512xf32, #tpu.memory_space<vmem>>) target(%dma_start3A_69 : memref<512xf32, #tpu.memory_space<hbm>>) target_semaphore(%arg15 : memref<!tpu.dma_semaphore, #tpu.memory_space<semaphore_mem>>)
      %mul3A_70 = arith.constant 3 : i32
      %mul3A_71 = arith.muli %scan3A_37, %mul3A_70 : i32
      %add3A_72 = arith.constant 1 : i32
      %add3A_73 = arith.addi %mul3A_71, %add3A_72 : i32
      %mul3A_74 = arith.constant 32 : i32
      %mul3A_75 = arith.muli %add3A_73, %mul3A_74 : i32
      %add3A_76 = arith.addi %mul3A_75, %add3A : i32
      %min3A_77 = arith.constant 4999 : i32
      %min3A_78 = arith.minsi %add3A_76, %min3A_77 : i32
      %mul3A_79 = arith.constant 512 : i32
      %mul3A_80 = arith.muli %min3A_78, %mul3A_79 : i32
      %multiple_of3A_81 = tpu.assume_multiple %mul3A_80, 512 : i32
      %dma_wait3A_82 = arith.constant 0 : i32
      %dma_wait3A_83 = tpu.memref_slice %arg5[%add3A_73, %dma_wait3A_82] : memref<160x128xi32, #tpu.memory_space<vmem>> -> memref<1x128xi32, #tpu.memory_space<vmem>>
      %dma_wait3A_84 = tpu.memref_squeeze %dma_wait3A_83 : memref<1x128xi32, #tpu.memory_space<vmem>> -> memref<128xi32, #tpu.memory_space<vmem>>
      %dma_wait3A_85 = arith.constant 0 : i32
      %dma_wait3A_86 = arith.constant 0 : i32
      %dma_wait3A_87 = tpu.memref_slice %arg2[%dma_wait3A_85, %dma_wait3A_86] : memref<40000x64xf32, #tpu.memory_space<hbm>> -> memref<40000x64xf32, #tpu.memory_space<hbm>>
      tpu.wait_indirect_dma semaphore(%arg13 : memref<!tpu.dma_semaphore, #tpu.memory_space<semaphore_mem>>) src(%dma_wait3A_87 : memref<40000x64xf32, #tpu.memory_space<hbm>>) dst(%arg7 : memref<128x64xf32, #tpu.memory_space<vmem>>)
      %ge3A_88 = arith.constant 3 : i32
      %ge3A_89 = arith.cmpi sge, %add3A_73, %ge3A_88 : i32
      %convert_element_type3A_90 = arith.extui %ge3A_89 : i1 to i32
      %cond3A_91 = arith.constant 0 : i32
      %cond3A_92 = arith.cmpi ne, %convert_element_type3A_90, %cond3A_91 : i32
      scf.if %cond3A_92 {
        %dma_wait3A_146 = arith.constant 0 : i32
        %dma_wait3A_147 = tpu.memref_slice %arg4[%dma_wait3A_146] : memref<2560000xf32, #tpu.memory_space<hbm>> -> memref<512xf32, #tpu.memory_space<hbm>>
        %dma_wait3A_148 = arith.constant 0 : i32
        %dma_wait3A_149 = tpu.memref_slice %arg4[%dma_wait3A_148] : memref<2560000xf32, #tpu.memory_space<hbm>> -> memref<512xf32, #tpu.memory_space<hbm>>
        tpu.wait_dma2 semaphore(%arg16 : memref<!tpu.dma_semaphore, #tpu.memory_space<semaphore_mem>>) src(%arg10 : memref<512xf32, #tpu.memory_space<vmem>>) dst(%dma_wait3A_149 : memref<512xf32, #tpu.memory_space<hbm>>)
      } else {
      }
      %scan3A_93 = arith.constant 0 : i32
      %scan3A_94 = arith.constant 0 : i32
      %scan3A_95 = arith.constant 8 : i32
      %scan3A_96 = arith.addi %scan3A_94, %scan3A_95 : i32
      %scan3A_97 = arith.constant 1 : i32
      scf.for %scan3A_146 = %scan3A_94 to %scan3A_96 step %scan3A_97  : i32 {
        %mul3A_147 = arith.constant 16 : i32
        %mul3A_148 = arith.muli %scan3A_146, %mul3A_147 : i32
        %get3A = arith.index_cast %mul3A_148 : i32 to index
        %get3A_149 = arith.constant 0 : index
        %get3A_150 = tpu.vector_load %arg7[%get3A, %get3A_149] {strides = array<i32>} : memref<128x64xf32, #tpu.memory_space<vmem>>, vector<16xf32>,
        %bitcast3A = vector.bitcast %get3A_150 : vector<16xf32> to vector<32xbf16>
        %get3A_151 = arith.index_cast %mul3A_148 : i32 to index
        %get3A_152 = arith.constant 16 : index
        %get3A_153 = tpu.vector_load %arg7[%get3A_151, %get3A_152] {strides = array<i32>} : memref<128x64xf32, #tpu.memory_space<vmem>>, vector<16xf32>,
        %bitcast3A_154 = vector.bitcast %get3A_153 : vector<16xf32> to vector<32xbf16>
        %get3A_155 = arith.index_cast %mul3A_148 : i32 to index
        %get3A_156 = arith.constant 32 : index
        %get3A_157 = tpu.vector_load %arg7[%get3A_155, %get3A_156] {strides = array<i32>} : memref<128x64xf32, #tpu.memory_space<vmem>>, vector<16xf32>,
        %bitcast3A_158 = vector.bitcast %get3A_157 : vector<16xf32> to vector<32xbf16>
        %get3A_159 = arith.index_cast %mul3A_148 : i32 to index
        %get3A_160 = arith.constant 48 : index
        %get3A_161 = tpu.vector_load %arg7[%get3A_159, %get3A_160] {strides = array<i32>} : memref<128x64xf32, #tpu.memory_space<vmem>>, vector<16xf32>,
        %bitcast3A_162 = vector.bitcast %get3A_161 : vector<16xf32> to vector<32xbf16>
        %add3A_163 = arith.constant 1 : i32
        %add3A_164 = arith.addi %mul3A_148, %add3A_163 : i32
        %get3A_165 = arith.index_cast %add3A_164 : i32 to index
        %get3A_166 = arith.constant 0 : index
        %get3A_167 = tpu.vector_load %arg7[%get3A_165, %get3A_166] {strides = array<i32>} : memref<128x64xf32, #tpu.memory_space<vmem>>, vector<16xf32>,
        %bitcast3A_168 = vector.bitcast %get3A_167 : vector<16xf32> to vector<32xbf16>
        %add3A_169 = arith.addf %bitcast3A, %bitcast3A_168 : vector<32xbf16>
        %add3A_170 = arith.constant 1 : i32
        %add3A_171 = arith.addi %mul3A_148, %add3A_170 : i32
        %get3A_172 = arith.index_cast %add3A_171 : i32 to index
        %get3A_173 = arith.constant 16 : index
        %get3A_174 = tpu.vector_load %arg7[%get3A_172, %get3A_173] {strides = array<i32>} : memref<128x64xf32, #tpu.memory_space<vmem>>, vector<16xf32>,
        %bitcast3A_175 = vector.bitcast %get3A_174 : vector<16xf32> to vector<32xbf16>
        %add3A_176 = arith.addf %bitcast3A_154, %bitcast3A_175 : vector<32xbf16>
        %add3A_177 = arith.constant 1 : i32
        %add3A_178 = arith.addi %mul3A_148, %add3A_177 : i32
        %get3A_179 = arith.index_cast %add3A_178 : i32 to index
        %get3A_180 = arith.constant 32 : index
        %get3A_181 = tpu.vector_load %arg7[%get3A_179, %get3A_180] {strides = array<i32>} : memref<128x64xf32, #tpu.memory_space<vmem>>, vector<16xf32>,
        %bitcast3A_182 = vector.bitcast %get3A_181 : vector<16xf32> to vector<32xbf16>
        %add3A_183 = arith.addf %bitcast3A_158, %bitcast3A_182 : vector<32xbf16>
        %add3A_184 = arith.constant 1 : i32
        %add3A_185 = arith.addi %mul3A_148, %add3A_184 : i32
        %get3A_186 = arith.index_cast %add3A_185 : i32 to index
        %get3A_187 = arith.constant 48 : index
        %get3A_188 = tpu.vector_load %arg7[%get3A_186, %get3A_187] {strides = array<i32>} : memref<128x64xf32, #tpu.memory_space<vmem>>, vector<16xf32>,
        %bitcast3A_189 = vector.bitcast %get3A_188 : vector<16xf32> to vector<32xbf16>
        %add3A_190 = arith.addf %bitcast3A_162, %bitcast3A_189 : vector<32xbf16>
        %add3A_191 = arith.constant 2 : i32
        %add3A_192 = arith.addi %mul3A_148, %add3A_191 : i32
        %get3A_193 = arith.index_cast %add3A_192 : i32 to index
        %get3A_194 = arith.constant 0 : index
        %get3A_195 = tpu.vector_load %arg7[%get3A_193, %get3A_194] {strides = array<i32>} : memref<128x64xf32, #tpu.memory_space<vmem>>, vector<16xf32>,
        %bitcast3A_196 = vector.bitcast %get3A_195 : vector<16xf32> to vector<32xbf16>
        %add3A_197 = arith.addf %add3A_169, %bitcast3A_196 : vector<32xbf16>
        %add3A_198 = arith.constant 2 : i32
        %add3A_199 = arith.addi %mul3A_148, %add3A_198 : i32
        %get3A_200 = arith.index_cast %add3A_199 : i32 to index
        %get3A_201 = arith.constant 16 : index
        %get3A_202 = tpu.vector_load %arg7[%get3A_200, %get3A_201] {strides = array<i32>} : memref<128x64xf32, #tpu.memory_space<vmem>>, vector<16xf32>,
        %bitcast3A_203 = vector.bitcast %get3A_202 : vector<16xf32> to vector<32xbf16>
        %add3A_204 = arith.addf %add3A_176, %bitcast3A_203 : vector<32xbf16>
        %add3A_205 = arith.constant 2 : i32
        %add3A_206 = arith.addi %mul3A_148, %add3A_205 : i32
        %get3A_207 = arith.index_cast %add3A_206 : i32 to index
        %get3A_208 = arith.constant 32 : index
        %get3A_209 = tpu.vector_load %arg7[%get3A_207, %get3A_208] {strides = array<i32>} : memref<128x64xf32, #tpu.memory_space<vmem>>, vector<16xf32>,
        %bitcast3A_210 = vector.bitcast %get3A_209 : vector<16xf32> to vector<32xbf16>
        %add3A_211 = arith.addf %add3A_183, %bitcast3A_210 : vector<32xbf16>
        %add3A_212 = arith.constant 2 : i32
        %add3A_213 = arith.addi %mul3A_148, %add3A_212 : i32
        %get3A_214 = arith.index_cast %add3A_213 : i32 to index
        %get3A_215 = arith.constant 48 : index
        %get3A_216 = tpu.vector_load %arg7[%get3A_214, %get3A_215] {strides = array<i32>} : memref<128x64xf32, #tpu.memory_space<vmem>>, vector<16xf32>,
        %bitcast3A_217 = vector.bitcast %get3A_216 : vector<16xf32> to vector<32xbf16>
        %add3A_218 = arith.addf %add3A_190, %bitcast3A_217 : vector<32xbf16>
        %add3A_219 = arith.constant 3 : i32
        %add3A_220 = arith.addi %mul3A_148, %add3A_219 : i32
        %get3A_221 = arith.index_cast %add3A_220 : i32 to index
        %get3A_222 = arith.constant 0 : index
        %get3A_223 = tpu.vector_load %arg7[%get3A_221, %get3A_222] {strides = array<i32>} : memref<128x64xf32, #tpu.memory_space<vmem>>, vector<16xf32>,
        %bitcast3A_224 = vector.bitcast %get3A_223 : vector<16xf32> to vector<32xbf16>
        %add3A_225 = arith.addf %add3A_197, %bitcast3A_224 : vector<32xbf16>
        %add3A_226 = arith.constant 3 : i32
        %add3A_227 = arith.addi %mul3A_148, %add3A_226 : i32
        %get3A_228 = arith.index_cast %add3A_227 : i32 to index
        %get3A_229 = arith.constant 16 : index
        %get3A_230 = tpu.vector_load %arg7[%get3A_228, %get3A_229] {strides = array<i32>} : memref<128x64xf32, #tpu.memory_space<vmem>>, vector<16xf32>,
        %bitcast3A_231 = vector.bitcast %get3A_230 : vector<16xf32> to vector<32xbf16>
        %add3A_232 = arith.addf %add3A_204, %bitcast3A_231 : vector<32xbf16>
        %add3A_233 = arith.constant 3 : i32
        %add3A_234 = arith.addi %mul3A_148, %add3A_233 : i32
        %get3A_235 = arith.index_cast %add3A_234 : i32 to index
        %get3A_236 = arith.constant 32 : index
        %get3A_237 = tpu.vector_load %arg7[%get3A_235, %get3A_236] {strides = array<i32>} : memref<128x64xf32, #tpu.memory_space<vmem>>, vector<16xf32>,
        %bitcast3A_238 = vector.bitcast %get3A_237 : vector<16xf32> to vector<32xbf16>
        %add3A_239 = arith.addf %add3A_211, %bitcast3A_238 : vector<32xbf16>
        %add3A_240 = arith.constant 3 : i32
        %add3A_241 = arith.addi %mul3A_148, %add3A_240 : i32
        %get3A_242 = arith.index_cast %add3A_241 : i32 to index
        %get3A_243 = arith.constant 48 : index
        %get3A_244 = tpu.vector_load %arg7[%get3A_242, %get3A_243] {strides = array<i32>} : memref<128x64xf32, #tpu.memory_space<vmem>>, vector<16xf32>,
        %bitcast3A_245 = vector.bitcast %get3A_244 : vector<16xf32> to vector<32xbf16>
        %add3A_246 = arith.addf %add3A_218, %bitcast3A_245 : vector<32xbf16>
        %add3A_247 = arith.constant 4 : i32
        %add3A_248 = arith.addi %mul3A_148, %add3A_247 : i32
        %get3A_249 = arith.index_cast %add3A_248 : i32 to index
        %get3A_250 = arith.constant 0 : index
        %get3A_251 = tpu.vector_load %arg7[%get3A_249, %get3A_250] {strides = array<i32>} : memref<128x64xf32, #tpu.memory_space<vmem>>, vector<16xf32>,
        %bitcast3A_252 = vector.bitcast %get3A_251 : vector<16xf32> to vector<32xbf16>
        %add3A_253 = arith.addf %add3A_225, %bitcast3A_252 : vector<32xbf16>
        %add3A_254 = arith.constant 4 : i32
        %add3A_255 = arith.addi %mul3A_148, %add3A_254 : i32
        %get3A_256 = arith.index_cast %add3A_255 : i32 to index
        %get3A_257 = arith.constant 16 : index
        %get3A_258 = tpu.vector_load %arg7[%get3A_256, %get3A_257] {strides = array<i32>} : memref<128x64xf32, #tpu.memory_space<vmem>>, vector<16xf32>,
        %bitcast3A_259 = vector.bitcast %get3A_258 : vector<16xf32> to vector<32xbf16>
        %add3A_260 = arith.addf %add3A_232, %bitcast3A_259 : vector<32xbf16>
        %add3A_261 = arith.constant 4 : i32
        %add3A_262 = arith.addi %mul3A_148, %add3A_261 : i32
        %get3A_263 = arith.index_cast %add3A_262 : i32 to index
        %get3A_264 = arith.constant 32 : index
        %get3A_265 = tpu.vector_load %arg7[%get3A_263, %get3A_264] {strides = array<i32>} : memref<128x64xf32, #tpu.memory_space<vmem>>, vector<16xf32>,
        %bitcast3A_266 = vector.bitcast %get3A_265 : vector<16xf32> to vector<32xbf16>
        %add3A_267 = arith.addf %add3A_239, %bitcast3A_266 : vector<32xbf16>
        %add3A_268 = arith.constant 4 : i32
        %add3A_269 = arith.addi %mul3A_148, %add3A_268 : i32
        %get3A_270 = arith.index_cast %add3A_269 : i32 to index
        %get3A_271 = arith.constant 48 : index
        %get3A_272 = tpu.vector_load %arg7[%get3A_270, %get3A_271] {strides = array<i32>} : memref<128x64xf32, #tpu.memory_space<vmem>>, vector<16xf32>,
        %bitcast3A_273 = vector.bitcast %get3A_272 : vector<16xf32> to vector<32xbf16>
        %add3A_274 = arith.addf %add3A_246, %bitcast3A_273 : vector<32xbf16>
        %add3A_275 = arith.constant 5 : i32
        %add3A_276 = arith.addi %mul3A_148, %add3A_275 : i32
        %get3A_277 = arith.index_cast %add3A_276 : i32 to index
        %get3A_278 = arith.constant 0 : index
        %get3A_279 = tpu.vector_load %arg7[%get3A_277, %get3A_278] {strides = array<i32>} : memref<128x64xf32, #tpu.memory_space<vmem>>, vector<16xf32>,
        %bitcast3A_280 = vector.bitcast %get3A_279 : vector<16xf32> to vector<32xbf16>
        %add3A_281 = arith.addf %add3A_253, %bitcast3A_280 : vector<32xbf16>
        %add3A_282 = arith.constant 5 : i32
        %add3A_283 = arith.addi %mul3A_148, %add3A_282 : i32
        %get3A_284 = arith.index_cast %add3A_283 : i32 to index
        %get3A_285 = arith.constant 16 : index
        %get3A_286 = tpu.vector_load %arg7[%get3A_284, %get3A_285] {strides = array<i32>} : memref<128x64xf32, #tpu.memory_space<vmem>>, vector<16xf32>,
        %bitcast3A_287 = vector.bitcast %get3A_286 : vector<16xf32> to vector<32xbf16>
        %add3A_288 = arith.addf %add3A_260, %bitcast3A_287 : vector<32xbf16>
        %add3A_289 = arith.constant 5 : i32
        %add3A_290 = arith.addi %mul3A_148, %add3A_289 : i32
        %get3A_291 = arith.index_cast %add3A_290 : i32 to index
        %get3A_292 = arith.constant 32 : index
        %get3A_293 = tpu.vector_load %arg7[%get3A_291, %get3A_292] {strides = array<i32>} : memref<128x64xf32, #tpu.memory_space<vmem>>, vector<16xf32>,
        %bitcast3A_294 = vector.bitcast %get3A_293 : vector<16xf32> to vector<32xbf16>
        %add3A_295 = arith.addf %add3A_267, %bitcast3A_294 : vector<32xbf16>
        %add3A_296 = arith.constant 5 : i32
        %add3A_297 = arith.addi %mul3A_148, %add3A_296 : i32
        %get3A_298 = arith.index_cast %add3A_297 : i32 to index
        %get3A_299 = arith.constant 48 : index
        %get3A_300 = tpu.vector_load %arg7[%get3A_298, %get3A_299] {strides = array<i32>} : memref<128x64xf32, #tpu.memory_space<vmem>>, vector<16xf32>,
        %bitcast3A_301 = vector.bitcast %get3A_300 : vector<16xf32> to vector<32xbf16>
        %add3A_302 = arith.addf %add3A_274, %bitcast3A_301 : vector<32xbf16>
        %add3A_303 = arith.constant 6 : i32
        %add3A_304 = arith.addi %mul3A_148, %add3A_303 : i32
        %get3A_305 = arith.index_cast %add3A_304 : i32 to index
        %get3A_306 = arith.constant 0 : index
        %get3A_307 = tpu.vector_load %arg7[%get3A_305, %get3A_306] {strides = array<i32>} : memref<128x64xf32, #tpu.memory_space<vmem>>, vector<16xf32>,
        %bitcast3A_308 = vector.bitcast %get3A_307 : vector<16xf32> to vector<32xbf16>
        %add3A_309 = arith.addf %add3A_281, %bitcast3A_308 : vector<32xbf16>
        %add3A_310 = arith.constant 6 : i32
        %add3A_311 = arith.addi %mul3A_148, %add3A_310 : i32
        %get3A_312 = arith.index_cast %add3A_311 : i32 to index
        %get3A_313 = arith.constant 16 : index
        %get3A_314 = tpu.vector_load %arg7[%get3A_312, %get3A_313] {strides = array<i32>} : memref<128x64xf32, #tpu.memory_space<vmem>>, vector<16xf32>,
        %bitcast3A_315 = vector.bitcast %get3A_314 : vector<16xf32> to vector<32xbf16>
        %add3A_316 = arith.addf %add3A_288, %bitcast3A_315 : vector<32xbf16>
        %add3A_317 = arith.constant 6 : i32
        %add3A_318 = arith.addi %mul3A_148, %add3A_317 : i32
        %get3A_319 = arith.index_cast %add3A_318 : i32 to index
        %get3A_320 = arith.constant 32 : index
        %get3A_321 = tpu.vector_load %arg7[%get3A_319, %get3A_320] {strides = array<i32>} : memref<128x64xf32, #tpu.memory_space<vmem>>, vector<16xf32>,
        %bitcast3A_322 = vector.bitcast %get3A_321 : vector<16xf32> to vector<32xbf16>
        %add3A_323 = arith.addf %add3A_295, %bitcast3A_322 : vector<32xbf16>
        %add3A_324 = arith.constant 6 : i32
        %add3A_325 = arith.addi %mul3A_148, %add3A_324 : i32
        %get3A_326 = arith.index_cast %add3A_325 : i32 to index
        %get3A_327 = arith.constant 48 : index
        %get3A_328 = tpu.vector_load %arg7[%get3A_326, %get3A_327] {strides = array<i32>} : memref<128x64xf32, #tpu.memory_space<vmem>>, vector<16xf32>,
        %bitcast3A_329 = vector.bitcast %get3A_328 : vector<16xf32> to vector<32xbf16>
        %add3A_330 = arith.addf %add3A_302, %bitcast3A_329 : vector<32xbf16>
        %add3A_331 = arith.constant 7 : i32
        %add3A_332 = arith.addi %mul3A_148, %add3A_331 : i32
        %get3A_333 = arith.index_cast %add3A_332 : i32 to index
        %get3A_334 = arith.constant 0 : index
        %get3A_335 = tpu.vector_load %arg7[%get3A_333, %get3A_334] {strides = array<i32>} : memref<128x64xf32, #tpu.memory_space<vmem>>, vector<16xf32>,
        %bitcast3A_336 = vector.bitcast %get3A_335 : vector<16xf32> to vector<32xbf16>
        %add3A_337 = arith.addf %add3A_309, %bitcast3A_336 : vector<32xbf16>
        %add3A_338 = arith.constant 7 : i32
        %add3A_339 = arith.addi %mul3A_148, %add3A_338 : i32
        %get3A_340 = arith.index_cast %add3A_339 : i32 to index
        %get3A_341 = arith.constant 16 : index
        %get3A_342 = tpu.vector_load %arg7[%get3A_340, %get3A_341] {strides = array<i32>} : memref<128x64xf32, #tpu.memory_space<vmem>>, vector<16xf32>,
        %bitcast3A_343 = vector.bitcast %get3A_342 : vector<16xf32> to vector<32xbf16>
        %add3A_344 = arith.addf %add3A_316, %bitcast3A_343 : vector<32xbf16>
        %add3A_345 = arith.constant 7 : i32
        %add3A_346 = arith.addi %mul3A_148, %add3A_345 : i32
        %get3A_347 = arith.index_cast %add3A_346 : i32 to index
        %get3A_348 = arith.constant 32 : index
        %get3A_349 = tpu.vector_load %arg7[%get3A_347, %get3A_348] {strides = array<i32>} : memref<128x64xf32, #tpu.memory_space<vmem>>, vector<16xf32>,
        %bitcast3A_350 = vector.bitcast %get3A_349 : vector<16xf32> to vector<32xbf16>
        %add3A_351 = arith.addf %add3A_323, %bitcast3A_350 : vector<32xbf16>
        %add3A_352 = arith.constant 7 : i32
        %add3A_353 = arith.addi %mul3A_148, %add3A_352 : i32
        %get3A_354 = arith.index_cast %add3A_353 : i32 to index
        %get3A_355 = arith.constant 48 : index
        %get3A_356 = tpu.vector_load %arg7[%get3A_354, %get3A_355] {strides = array<i32>} : memref<128x64xf32, #tpu.memory_space<vmem>>, vector<16xf32>,
        %bitcast3A_357 = vector.bitcast %get3A_356 : vector<16xf32> to vector<32xbf16>
        %add3A_358 = arith.addf %add3A_330, %bitcast3A_357 : vector<32xbf16>
        %add3A_359 = arith.constant 8 : i32
        %add3A_360 = arith.addi %mul3A_148, %add3A_359 : i32
        %get3A_361 = arith.index_cast %add3A_360 : i32 to index
        %get3A_362 = arith.constant 0 : index
        %get3A_363 = tpu.vector_load %arg7[%get3A_361, %get3A_362] {strides = array<i32>} : memref<128x64xf32, #tpu.memory_space<vmem>>, vector<16xf32>,
        %bitcast3A_364 = vector.bitcast %get3A_363 : vector<16xf32> to vector<32xbf16>
        %add3A_365 = arith.addf %add3A_337, %bitcast3A_364 : vector<32xbf16>
        %add3A_366 = arith.constant 8 : i32
        %add3A_367 = arith.addi %mul3A_148, %add3A_366 : i32
        %get3A_368 = arith.index_cast %add3A_367 : i32 to index
        %get3A_369 = arith.constant 16 : index
        %get3A_370 = tpu.vector_load %arg7[%get3A_368, %get3A_369] {strides = array<i32>} : memref<128x64xf32, #tpu.memory_space<vmem>>, vector<16xf32>,
        %bitcast3A_371 = vector.bitcast %get3A_370 : vector<16xf32> to vector<32xbf16>
        %add3A_372 = arith.addf %add3A_344, %bitcast3A_371 : vector<32xbf16>
        %add3A_373 = arith.constant 8 : i32
        %add3A_374 = arith.addi %mul3A_148, %add3A_373 : i32
        %get3A_375 = arith.index_cast %add3A_374 : i32 to index
        %get3A_376 = arith.constant 32 : index
        %get3A_377 = tpu.vector_load %arg7[%get3A_375, %get3A_376] {strides = array<i32>} : memref<128x64xf32, #tpu.memory_space<vmem>>, vector<16xf32>,
        %bitcast3A_378 = vector.bitcast %get3A_377 : vector<16xf32> to vector<32xbf16>
        %add3A_379 = arith.addf %add3A_351, %bitcast3A_378 : vector<32xbf16>
        %add3A_380 = arith.constant 8 : i32
        %add3A_381 = arith.addi %mul3A_148, %add3A_380 : i32
        %get3A_382 = arith.index_cast %add3A_381 : i32 to index
        %get3A_383 = arith.constant 48 : index
        %get3A_384 = tpu.vector_load %arg7[%get3A_382, %get3A_383] {strides = array<i32>} : memref<128x64xf32, #tpu.memory_space<vmem>>, vector<16xf32>,
        %bitcast3A_385 = vector.bitcast %get3A_384 : vector<16xf32> to vector<32xbf16>
        %add3A_386 = arith.addf %add3A_358, %bitcast3A_385 : vector<32xbf16>
        %add3A_387 = arith.constant 9 : i32
        %add3A_388 = arith.addi %mul3A_148, %add3A_387 : i32
        %get3A_389 = arith.index_cast %add3A_388 : i32 to index
        %get3A_390 = arith.constant 0 : index
        %get3A_391 = tpu.vector_load %arg7[%get3A_389, %get3A_390] {strides = array<i32>} : memref<128x64xf32, #tpu.memory_space<vmem>>, vector<16xf32>,
        %bitcast3A_392 = vector.bitcast %get3A_391 : vector<16xf32> to vector<32xbf16>
        %add3A_393 = arith.addf %add3A_365, %bitcast3A_392 : vector<32xbf16>
        %add3A_394 = arith.constant 9 : i32
        %add3A_395 = arith.addi %mul3A_148, %add3A_394 : i32
        %get3A_396 = arith.index_cast %add3A_395 : i32 to index
        %get3A_397 = arith.constant 16 : index
        %get3A_398 = tpu.vector_load %arg7[%get3A_396, %get3A_397] {strides = array<i32>} : memref<128x64xf32, #tpu.memory_space<vmem>>, vector<16xf32>,
        %bitcast3A_399 = vector.bitcast %get3A_398 : vector<16xf32> to vector<32xbf16>
        %add3A_400 = arith.addf %add3A_372, %bitcast3A_399 : vector<32xbf16>
        %add3A_401 = arith.constant 9 : i32
        %add3A_402 = arith.addi %mul3A_148, %add3A_401 : i32
        %get3A_403 = arith.index_cast %add3A_402 : i32 to index
        %get3A_404 = arith.constant 32 : index
        %get3A_405 = tpu.vector_load %arg7[%get3A_403, %get3A_404] {strides = array<i32>} : memref<128x64xf32, #tpu.memory_space<vmem>>, vector<16xf32>,
        %bitcast3A_406 = vector.bitcast %get3A_405 : vector<16xf32> to vector<32xbf16>
        %add3A_407 = arith.addf %add3A_379, %bitcast3A_406 : vector<32xbf16>
        %add3A_408 = arith.constant 9 : i32
        %add3A_409 = arith.addi %mul3A_148, %add3A_408 : i32
        %get3A_410 = arith.index_cast %add3A_409 : i32 to index
        %get3A_411 = arith.constant 48 : index
        %get3A_412 = tpu.vector_load %arg7[%get3A_410, %get3A_411] {strides = array<i32>} : memref<128x64xf32, #tpu.memory_space<vmem>>, vector<16xf32>,
        %bitcast3A_413 = vector.bitcast %get3A_412 : vector<16xf32> to vector<32xbf16>
        %add3A_414 = arith.addf %add3A_386, %bitcast3A_413 : vector<32xbf16>
        %add3A_415 = arith.constant 10 : i32
        %add3A_416 = arith.addi %mul3A_148, %add3A_415 : i32
        %get3A_417 = arith.index_cast %add3A_416 : i32 to index
        %get3A_418 = arith.constant 0 : index
        %get3A_419 = tpu.vector_load %arg7[%get3A_417, %get3A_418] {strides = array<i32>} : memref<128x64xf32, #tpu.memory_space<vmem>>, vector<16xf32>,
        %bitcast3A_420 = vector.bitcast %get3A_419 : vector<16xf32> to vector<32xbf16>
        %add3A_421 = arith.addf %add3A_393, %bitcast3A_420 : vector<32xbf16>
        %add3A_422 = arith.constant 10 : i32
        %add3A_423 = arith.addi %mul3A_148, %add3A_422 : i32
        %get3A_424 = arith.index_cast %add3A_423 : i32 to index
        %get3A_425 = arith.constant 16 : index
        %get3A_426 = tpu.vector_load %arg7[%get3A_424, %get3A_425] {strides = array<i32>} : memref<128x64xf32, #tpu.memory_space<vmem>>, vector<16xf32>,
        %bitcast3A_427 = vector.bitcast %get3A_426 : vector<16xf32> to vector<32xbf16>
        %add3A_428 = arith.addf %add3A_400, %bitcast3A_427 : vector<32xbf16>
        %add3A_429 = arith.constant 10 : i32
        %add3A_430 = arith.addi %mul3A_148, %add3A_429 : i32
        %get3A_431 = arith.index_cast %add3A_430 : i32 to index
        %get3A_432 = arith.constant 32 : index
        %get3A_433 = tpu.vector_load %arg7[%get3A_431, %get3A_432] {strides = array<i32>} : memref<128x64xf32, #tpu.memory_space<vmem>>, vector<16xf32>,
        %bitcast3A_434 = vector.bitcast %get3A_433 : vector<16xf32> to vector<32xbf16>
        %add3A_435 = arith.addf %add3A_407, %bitcast3A_434 : vector<32xbf16>
        %add3A_436 = arith.constant 10 : i32
        %add3A_437 = arith.addi %mul3A_148, %add3A_436 : i32
        %get3A_438 = arith.index_cast %add3A_437 : i32 to index
        %get3A_439 = arith.constant 48 : index
        %get3A_440 = tpu.vector_load %arg7[%get3A_438, %get3A_439] {strides = array<i32>} : memref<128x64xf32, #tpu.memory_space<vmem>>, vector<16xf32>,
        %bitcast3A_441 = vector.bitcast %get3A_440 : vector<16xf32> to vector<32xbf16>
        %add3A_442 = arith.addf %add3A_414, %bitcast3A_441 : vector<32xbf16>
        %add3A_443 = arith.constant 11 : i32
        %add3A_444 = arith.addi %mul3A_148, %add3A_443 : i32
        %get3A_445 = arith.index_cast %add3A_444 : i32 to index
        %get3A_446 = arith.constant 0 : index
        %get3A_447 = tpu.vector_load %arg7[%get3A_445, %get3A_446] {strides = array<i32>} : memref<128x64xf32, #tpu.memory_space<vmem>>, vector<16xf32>,
        %bitcast3A_448 = vector.bitcast %get3A_447 : vector<16xf32> to vector<32xbf16>
        %add3A_449 = arith.addf %add3A_421, %bitcast3A_448 : vector<32xbf16>
        %add3A_450 = arith.constant 11 : i32
        %add3A_451 = arith.addi %mul3A_148, %add3A_450 : i32
        %get3A_452 = arith.index_cast %add3A_451 : i32 to index
        %get3A_453 = arith.constant 16 : index
        %get3A_454 = tpu.vector_load %arg7[%get3A_452, %get3A_453] {strides = array<i32>} : memref<128x64xf32, #tpu.memory_space<vmem>>, vector<16xf32>,
        %bitcast3A_455 = vector.bitcast %get3A_454 : vector<16xf32> to vector<32xbf16>
        %add3A_456 = arith.addf %add3A_428, %bitcast3A_455 : vector<32xbf16>
        %add3A_457 = arith.constant 11 : i32
        %add3A_458 = arith.addi %mul3A_148, %add3A_457 : i32
        %get3A_459 = arith.index_cast %add3A_458 : i32 to index
        %get3A_460 = arith.constant 32 : index
        %get3A_461 = tpu.vector_load %arg7[%get3A_459, %get3A_460] {strides = array<i32>} : memref<128x64xf32, #tpu.memory_space<vmem>>, vector<16xf32>,
        %bitcast3A_462 = vector.bitcast %get3A_461 : vector<16xf32> to vector<32xbf16>
        %add3A_463 = arith.addf %add3A_435, %bitcast3A_462 : vector<32xbf16>
        %add3A_464 = arith.constant 11 : i32
        %add3A_465 = arith.addi %mul3A_148, %add3A_464 : i32
        %get3A_466 = arith.index_cast %add3A_465 : i32 to index
        %get3A_467 = arith.constant 48 : index
        %get3A_468 = tpu.vector_load %arg7[%get3A_466, %get3A_467] {strides = array<i32>} : memref<128x64xf32, #tpu.memory_space<vmem>>, vector<16xf32>,
        %bitcast3A_469 = vector.bitcast %get3A_468 : vector<16xf32> to vector<32xbf16>
        %add3A_470 = arith.addf %add3A_442, %bitcast3A_469 : vector<32xbf16>
        %add3A_471 = arith.constant 12 : i32
        %add3A_472 = arith.addi %mul3A_148, %add3A_471 : i32
        %get3A_473 = arith.index_cast %add3A_472 : i32 to index
        %get3A_474 = arith.constant 0 : index
        %get3A_475 = tpu.vector_load %arg7[%get3A_473, %get3A_474] {strides = array<i32>} : memref<128x64xf32, #tpu.memory_space<vmem>>, vector<16xf32>,
        %bitcast3A_476 = vector.bitcast %get3A_475 : vector<16xf32> to vector<32xbf16>
        %add3A_477 = arith.addf %add3A_449, %bitcast3A_476 : vector<32xbf16>
        %add3A_478 = arith.constant 12 : i32
        %add3A_479 = arith.addi %mul3A_148, %add3A_478 : i32
        %get3A_480 = arith.index_cast %add3A_479 : i32 to index
        %get3A_481 = arith.constant 16 : index
        %get3A_482 = tpu.vector_load %arg7[%get3A_480, %get3A_481] {strides = array<i32>} : memref<128x64xf32, #tpu.memory_space<vmem>>, vector<16xf32>,
        %bitcast3A_483 = vector.bitcast %get3A_482 : vector<16xf32> to vector<32xbf16>
        %add3A_484 = arith.addf %add3A_456, %bitcast3A_483 : vector<32xbf16>
        %add3A_485 = arith.constant 12 : i32
        %add3A_486 = arith.addi %mul3A_148, %add3A_485 : i32
        %get3A_487 = arith.index_cast %add3A_486 : i32 to index
        %get3A_488 = arith.constant 32 : index
        %get3A_489 = tpu.vector_load %arg7[%get3A_487, %get3A_488] {strides = array<i32>} : memref<128x64xf32, #tpu.memory_space<vmem>>, vector<16xf32>,
        %bitcast3A_490 = vector.bitcast %get3A_489 : vector<16xf32> to vector<32xbf16>
        %add3A_491 = arith.addf %add3A_463, %bitcast3A_490 : vector<32xbf16>
        %add3A_492 = arith.constant 12 : i32
        %add3A_493 = arith.addi %mul3A_148, %add3A_492 : i32
        %get3A_494 = arith.index_cast %add3A_493 : i32 to index
        %get3A_495 = arith.constant 48 : index
        %get3A_496 = tpu.vector_load %arg7[%get3A_494, %get3A_495] {strides = array<i32>} : memref<128x64xf32, #tpu.memory_space<vmem>>, vector<16xf32>,
        %bitcast3A_497 = vector.bitcast %get3A_496 : vector<16xf32> to vector<32xbf16>
        %add3A_498 = arith.addf %add3A_470, %bitcast3A_497 : vector<32xbf16>
        %add3A_499 = arith.constant 13 : i32
        %add3A_500 = arith.addi %mul3A_148, %add3A_499 : i32
        %get3A_501 = arith.index_cast %add3A_500 : i32 to index
        %get3A_502 = arith.constant 0 : index
        %get3A_503 = tpu.vector_load %arg7[%get3A_501, %get3A_502] {strides = array<i32>} : memref<128x64xf32, #tpu.memory_space<vmem>>, vector<16xf32>,
        %bitcast3A_504 = vector.bitcast %get3A_503 : vector<16xf32> to vector<32xbf16>
        %add3A_505 = arith.addf %add3A_477, %bitcast3A_504 : vector<32xbf16>
        %add3A_506 = arith.constant 13 : i32
        %add3A_507 = arith.addi %mul3A_148, %add3A_506 : i32
        %get3A_508 = arith.index_cast %add3A_507 : i32 to index
        %get3A_509 = arith.constant 16 : index
        %get3A_510 = tpu.vector_load %arg7[%get3A_508, %get3A_509] {strides = array<i32>} : memref<128x64xf32, #tpu.memory_space<vmem>>, vector<16xf32>,
        %bitcast3A_511 = vector.bitcast %get3A_510 : vector<16xf32> to vector<32xbf16>
        %add3A_512 = arith.addf %add3A_484, %bitcast3A_511 : vector<32xbf16>
        %add3A_513 = arith.constant 13 : i32
        %add3A_514 = arith.addi %mul3A_148, %add3A_513 : i32
        %get3A_515 = arith.index_cast %add3A_514 : i32 to index
        %get3A_516 = arith.constant 32 : index
        %get3A_517 = tpu.vector_load %arg7[%get3A_515, %get3A_516] {strides = array<i32>} : memref<128x64xf32, #tpu.memory_space<vmem>>, vector<16xf32>,
        %bitcast3A_518 = vector.bitcast %get3A_517 : vector<16xf32> to vector<32xbf16>
        %add3A_519 = arith.addf %add3A_491, %bitcast3A_518 : vector<32xbf16>
        %add3A_520 = arith.constant 13 : i32
        %add3A_521 = arith.addi %mul3A_148, %add3A_520 : i32
        %get3A_522 = arith.index_cast %add3A_521 : i32 to index
        %get3A_523 = arith.constant 48 : index
        %get3A_524 = tpu.vector_load %arg7[%get3A_522, %get3A_523] {strides = array<i32>} : memref<128x64xf32, #tpu.memory_space<vmem>>, vector<16xf32>,
        %bitcast3A_525 = vector.bitcast %get3A_524 : vector<16xf32> to vector<32xbf16>
        %add3A_526 = arith.addf %add3A_498, %bitcast3A_525 : vector<32xbf16>
        %add3A_527 = arith.constant 14 : i32
        %add3A_528 = arith.addi %mul3A_148, %add3A_527 : i32
        %get3A_529 = arith.index_cast %add3A_528 : i32 to index
        %get3A_530 = arith.constant 0 : index
        %get3A_531 = tpu.vector_load %arg7[%get3A_529, %get3A_530] {strides = array<i32>} : memref<128x64xf32, #tpu.memory_space<vmem>>, vector<16xf32>,
        %bitcast3A_532 = vector.bitcast %get3A_531 : vector<16xf32> to vector<32xbf16>
        %add3A_533 = arith.addf %add3A_505, %bitcast3A_532 : vector<32xbf16>
        %add3A_534 = arith.constant 14 : i32
        %add3A_535 = arith.addi %mul3A_148, %add3A_534 : i32
        %get3A_536 = arith.index_cast %add3A_535 : i32 to index
        %get3A_537 = arith.constant 16 : index
        %get3A_538 = tpu.vector_load %arg7[%get3A_536, %get3A_537] {strides = array<i32>} : memref<128x64xf32, #tpu.memory_space<vmem>>, vector<16xf32>,
        %bitcast3A_539 = vector.bitcast %get3A_538 : vector<16xf32> to vector<32xbf16>
        %add3A_540 = arith.addf %add3A_512, %bitcast3A_539 : vector<32xbf16>
        %add3A_541 = arith.constant 14 : i32
        %add3A_542 = arith.addi %mul3A_148, %add3A_541 : i32
        %get3A_543 = arith.index_cast %add3A_542 : i32 to index
        %get3A_544 = arith.constant 32 : index
        %get3A_545 = tpu.vector_load %arg7[%get3A_543, %get3A_544] {strides = array<i32>} : memref<128x64xf32, #tpu.memory_space<vmem>>, vector<16xf32>,
        %bitcast3A_546 = vector.bitcast %get3A_545 : vector<16xf32> to vector<32xbf16>
        %add3A_547 = arith.addf %add3A_519, %bitcast3A_546 : vector<32xbf16>
        %add3A_548 = arith.constant 14 : i32
        %add3A_549 = arith.addi %mul3A_148, %add3A_548 : i32
        %get3A_550 = arith.index_cast %add3A_549 : i32 to index
        %get3A_551 = arith.constant 48 : index
        %get3A_552 = tpu.vector_load %arg7[%get3A_550, %get3A_551] {strides = array<i32>} : memref<128x64xf32, #tpu.memory_space<vmem>>, vector<16xf32>,
        %bitcast3A_553 = vector.bitcast %get3A_552 : vector<16xf32> to vector<32xbf16>
        %add3A_554 = arith.addf %add3A_526, %bitcast3A_553 : vector<32xbf16>
        %add3A_555 = arith.constant 15 : i32
        %add3A_556 = arith.addi %mul3A_148, %add3A_555 : i32
        %get3A_557 = arith.index_cast %add3A_556 : i32 to index
        %get3A_558 = arith.constant 0 : index
        %get3A_559 = tpu.vector_load %arg7[%get3A_557, %get3A_558] {strides = array<i32>} : memref<128x64xf32, #tpu.memory_space<vmem>>, vector<16xf32>,
        %bitcast3A_560 = vector.bitcast %get3A_559 : vector<16xf32> to vector<32xbf16>
        %add3A_561 = arith.addf %add3A_533, %bitcast3A_560 : vector<32xbf16>
        %add3A_562 = arith.constant 15 : i32
        %add3A_563 = arith.addi %mul3A_148, %add3A_562 : i32
        %get3A_564 = arith.index_cast %add3A_563 : i32 to index
        %get3A_565 = arith.constant 16 : index
        %get3A_566 = tpu.vector_load %arg7[%get3A_564, %get3A_565] {strides = array<i32>} : memref<128x64xf32, #tpu.memory_space<vmem>>, vector<16xf32>,
        %bitcast3A_567 = vector.bitcast %get3A_566 : vector<16xf32> to vector<32xbf16>
        %add3A_568 = arith.addf %add3A_540, %bitcast3A_567 : vector<32xbf16>
        %add3A_569 = arith.constant 15 : i32
        %add3A_570 = arith.addi %mul3A_148, %add3A_569 : i32
        %get3A_571 = arith.index_cast %add3A_570 : i32 to index
        %get3A_572 = arith.constant 32 : index
        %get3A_573 = tpu.vector_load %arg7[%get3A_571, %get3A_572] {strides = array<i32>} : memref<128x64xf32, #tpu.memory_space<vmem>>, vector<16xf32>,
        %bitcast3A_574 = vector.bitcast %get3A_573 : vector<16xf32> to vector<32xbf16>
        %add3A_575 = arith.addf %add3A_547, %bitcast3A_574 : vector<32xbf16>
        %add3A_576 = arith.constant 15 : i32
        %add3A_577 = arith.addi %mul3A_148, %add3A_576 : i32
        %get3A_578 = arith.index_cast %add3A_577 : i32 to index
        %get3A_579 = arith.constant 48 : index
        %get3A_580 = tpu.vector_load %arg7[%get3A_578, %get3A_579] {strides = array<i32>} : memref<128x64xf32, #tpu.memory_space<vmem>>, vector<16xf32>,
        %bitcast3A_581 = vector.bitcast %get3A_580 : vector<16xf32> to vector<32xbf16>
        %add3A_582 = arith.addf %add3A_554, %bitcast3A_581 : vector<32xbf16>
        %bitcast3A_583 = vector.bitcast %add3A_561 : vector<32xbf16> to vector<16xf32>
        %mul3A_584 = arith.constant 64 : i32
        %mul3A_585 = arith.muli %scan3A_146, %mul3A_584 : i32
        %add3A_586 = arith.constant 0 : i32
        %add3A_587 = arith.addi %mul3A_585, %add3A_586 : i32
        %swap3A = arith.index_cast %add3A_587 : i32 to index
        %swap3A_588 = tpu.vector_load %arg10[%swap3A] {strides = array<i32>} : memref<512xf32, #tpu.memory_space<vmem>>, vector<16xf32>,
        tpu.vector_store %arg10[%swap3A], %bitcast3A_583 {strides = array<i32>} : memref<512xf32, #tpu.memory_space<vmem>>, vector<16xf32>,
        %bitcast3A_589 = vector.bitcast %add3A_568 : vector<32xbf16> to vector<16xf32>
        %mul3A_590 = arith.constant 64 : i32
        %mul3A_591 = arith.muli %scan3A_146, %mul3A_590 : i32
        %add3A_592 = arith.constant 16 : i32
        %add3A_593 = arith.addi %mul3A_591, %add3A_592 : i32
        %swap3A_594 = arith.index_cast %add3A_593 : i32 to index
        %swap3A_595 = tpu.vector_load %arg10[%swap3A_594] {strides = array<i32>} : memref<512xf32, #tpu.memory_space<vmem>>, vector<16xf32>,
        tpu.vector_store %arg10[%swap3A_594], %bitcast3A_589 {strides = array<i32>} : memref<512xf32, #tpu.memory_space<vmem>>, vector<16xf32>,
        %bitcast3A_596 = vector.bitcast %add3A_575 : vector<32xbf16> to vector<16xf32>
        %mul3A_597 = arith.constant 64 : i32
        %mul3A_598 = arith.muli %scan3A_146, %mul3A_597 : i32
        %add3A_599 = arith.constant 32 : i32
        %add3A_600 = arith.addi %mul3A_598, %add3A_599 : i32
        %swap3A_601 = arith.index_cast %add3A_600 : i32 to index
        %swap3A_602 = tpu.vector_load %arg10[%swap3A_601] {strides = array<i32>} : memref<512xf32, #tpu.memory_space<vmem>>, vector<16xf32>,
        tpu.vector_store %arg10[%swap3A_601], %bitcast3A_596 {strides = array<i32>} : memref<512xf32, #tpu.memory_space<vmem>>, vector<16xf32>,
        %bitcast3A_603 = vector.bitcast %add3A_582 : vector<32xbf16> to vector<16xf32>
        %mul3A_604 = arith.constant 64 : i32
        %mul3A_605 = arith.muli %scan3A_146, %mul3A_604 : i32
        %add3A_606 = arith.constant 48 : i32
        %add3A_607 = arith.addi %mul3A_605, %add3A_606 : i32
        %swap3A_608 = arith.index_cast %add3A_607 : i32 to index
        %swap3A_609 = tpu.vector_load %arg10[%swap3A_608] {strides = array<i32>} : memref<512xf32, #tpu.memory_space<vmem>>, vector<16xf32>,
        tpu.vector_store %arg10[%swap3A_608], %bitcast3A_603 {strides = array<i32>} : memref<512xf32, #tpu.memory_space<vmem>>, vector<16xf32>,
      }
      %scan3A_98 = arith.constant 8 : i32
      %add3A_99 = arith.constant 3 : i32
      %add3A_100 = arith.addi %add3A_73, %add3A_99 : i32
      %lt3A_101 = arith.constant 159 : i32
      %lt3A_102 = arith.cmpi slt, %add3A_100, %lt3A_101 : i32
      %convert_element_type3A_103 = arith.extui %lt3A_102 : i1 to i32
      %cond3A_104 = arith.constant 0 : i32
      %cond3A_105 = arith.cmpi ne, %convert_element_type3A_103, %cond3A_104 : i32
      scf.if %cond3A_105 {
        %add3A_146 = arith.constant 3 : i32
        %add3A_147 = arith.addi %add3A_73, %add3A_146 : i32
        %dma_start3A_148 = arith.constant 0 : i32
        %dma_start3A_149 = tpu.memref_slice %arg5[%add3A_147, %dma_start3A_148] : memref<160x128xi32, #tpu.memory_space<vmem>> -> memref<1x128xi32, #tpu.memory_space<vmem>>
        %dma_start3A_150 = tpu.memref_squeeze %dma_start3A_149 : memref<1x128xi32, #tpu.memory_space<vmem>> -> memref<128xi32, #tpu.memory_space<vmem>>
        %dma_start3A_151 = arith.constant 0 : i32
        %dma_start3A_152 = arith.constant 0 : i32
        %dma_start3A_153 = tpu.memref_slice %arg2[%dma_start3A_151, %dma_start3A_152] : memref<40000x64xf32, #tpu.memory_space<hbm>> -> memref<40000x64xf32, #tpu.memory_space<hbm>>
        tpu.enqueue_indirect_dma source(%dma_start3A_153 : memref<40000x64xf32, #tpu.memory_space<hbm>>) target(%arg7 : memref<128x64xf32, #tpu.memory_space<vmem>>) offsets(%dma_start3A_150 : memref<128xi32, #tpu.memory_space<vmem>>) semaphore(%arg13 : memref<!tpu.dma_semaphore, #tpu.memory_space<semaphore_mem>>)
      } else {
      }
      %dma_start3A_106 = tpu.memref_slice %arg4[%multiple_of3A_81] : memref<2560000xf32, #tpu.memory_space<hbm>> -> memref<512xf32, #tpu.memory_space<hbm>>
      %dma_start3A_107 = tpu.memref_slice %arg4[%multiple_of3A_81] : memref<2560000xf32, #tpu.memory_space<hbm>> -> memref<512xf32, #tpu.memory_space<hbm>>
      tpu.enqueue_dma source(%arg10 : memref<512xf32, #tpu.memory_space<vmem>>) target(%dma_start3A_107 : memref<512xf32, #tpu.memory_space<hbm>>) target_semaphore(%arg16 : memref<!tpu.dma_semaphore, #tpu.memory_space<semaphore_mem>>)
      %mul3A_108 = arith.constant 3 : i32
      %mul3A_109 = arith.muli %scan3A_37, %mul3A_108 : i32
      %add3A_110 = arith.constant 2 : i32
      %add3A_111 = arith.addi %mul3A_109, %add3A_110 : i32
      %mul3A_112 = arith.constant 32 : i32
      %mul3A_113 = arith.muli %add3A_111, %mul3A_112 : i32
      %add3A_114 = arith.addi %mul3A_113, %add3A : i32
      %min3A_115 = arith.constant 4999 : i32
      %min3A_116 = arith.minsi %add3A_114, %min3A_115 : i32
      %mul3A_117 = arith.constant 512 : i32
      %mul3A_118 = arith.muli %min3A_116, %mul3A_117 : i32
      %multiple_of3A_119 = tpu.assume_multiple %mul3A_118, 512 : i32
      %dma_wait3A_120 = arith.constant 0 : i32
      %dma_wait3A_121 = tpu.memref_slice %arg5[%add3A_111, %dma_wait3A_120] : memref<160x128xi32, #tpu.memory_space<vmem>> -> memref<1x128xi32, #tpu.memory_space<vmem>>
      %dma_wait3A_122 = tpu.memref_squeeze %dma_wait3A_121 : memref<1x128xi32, #tpu.memory_space<vmem>> -> memref<128xi32, #tpu.memory_space<vmem>>
      %dma_wait3A_123 = arith.constant 0 : i32
      %dma_wait3A_124 = arith.constant 0 : i32
      %dma_wait3A_125 = tpu.memref_slice %arg2[%dma_wait3A_123, %dma_wait3A_124] : memref<40000x64xf32, #tpu.memory_space<hbm>> -> memref<40000x64xf32, #tpu.memory_space<hbm>>
      tpu.wait_indirect_dma semaphore(%arg14 : memref<!tpu.dma_semaphore, #tpu.memory_space<semaphore_mem>>) src(%dma_wait3A_125 : memref<40000x64xf32, #tpu.memory_space<hbm>>) dst(%arg8 : memref<128x64xf32, #tpu.memory_space<vmem>>)
      %ge3A_126 = arith.constant 3 : i32
      %ge3A_127 = arith.cmpi sge, %add3A_111, %ge3A_126 : i32
      %convert_element_type3A_128 = arith.extui %ge3A_127 : i1 to i32
      %cond3A_129 = arith.constant 0 : i32
      %cond3A_130 = arith.cmpi ne, %convert_element_type3A_128, %cond3A_129 : i32
      scf.if %cond3A_130 {
        %dma_wait3A_146 = arith.constant 0 : i32
        %dma_wait3A_147 = tpu.memref_slice %arg4[%dma_wait3A_146] : memref<2560000xf32, #tpu.memory_space<hbm>> -> memref<512xf32, #tpu.memory_space<hbm>>
        %dma_wait3A_148 = arith.constant 0 : i32
        %dma_wait3A_149 = tpu.memref_slice %arg4[%dma_wait3A_148] : memref<2560000xf32, #tpu.memory_space<hbm>> -> memref<512xf32, #tpu.memory_space<hbm>>
        tpu.wait_dma2 semaphore(%arg17 : memref<!tpu.dma_semaphore, #tpu.memory_space<semaphore_mem>>) src(%arg11 : memref<512xf32, #tpu.memory_space<vmem>>) dst(%dma_wait3A_149 : memref<512xf32, #tpu.memory_space<hbm>>)
      } else {
      }
      %scan3A_131 = arith.constant 0 : i32
      %scan3A_132 = arith.constant 0 : i32
      %scan3A_133 = arith.constant 8 : i32
      %scan3A_134 = arith.addi %scan3A_132, %scan3A_133 : i32
      %scan3A_135 = arith.constant 1 : i32
      scf.for %scan3A_146 = %scan3A_132 to %scan3A_134 step %scan3A_135  : i32 {
        %mul3A_147 = arith.constant 16 : i32
        %mul3A_148 = arith.muli %scan3A_146, %mul3A_147 : i32
        %get3A = arith.index_cast %mul3A_148 : i32 to index
        %get3A_149 = arith.constant 0 : index
        %get3A_150 = tpu.vector_load %arg8[%get3A, %get3A_149] {strides = array<i32>} : memref<128x64xf32, #tpu.memory_space<vmem>>, vector<16xf32>,
        %bitcast3A = vector.bitcast %get3A_150 : vector<16xf32> to vector<32xbf16>
        %get3A_151 = arith.index_cast %mul3A_148 : i32 to index
        %get3A_152 = arith.constant 16 : index
        %get3A_153 = tpu.vector_load %arg8[%get3A_151, %get3A_152] {strides = array<i32>} : memref<128x64xf32, #tpu.memory_space<vmem>>, vector<16xf32>,
        %bitcast3A_154 = vector.bitcast %get3A_153 : vector<16xf32> to vector<32xbf16>
        %get3A_155 = arith.index_cast %mul3A_148 : i32 to index
        %get3A_156 = arith.constant 32 : index
        %get3A_157 = tpu.vector_load %arg8[%get3A_155, %get3A_156] {strides = array<i32>} : memref<128x64xf32, #tpu.memory_space<vmem>>, vector<16xf32>,
        %bitcast3A_158 = vector.bitcast %get3A_157 : vector<16xf32> to vector<32xbf16>
        %get3A_159 = arith.index_cast %mul3A_148 : i32 to index
        %get3A_160 = arith.constant 48 : index
        %get3A_161 = tpu.vector_load %arg8[%get3A_159, %get3A_160] {strides = array<i32>} : memref<128x64xf32, #tpu.memory_space<vmem>>, vector<16xf32>,
        %bitcast3A_162 = vector.bitcast %get3A_161 : vector<16xf32> to vector<32xbf16>
        %add3A_163 = arith.constant 1 : i32
        %add3A_164 = arith.addi %mul3A_148, %add3A_163 : i32
        %get3A_165 = arith.index_cast %add3A_164 : i32 to index
        %get3A_166 = arith.constant 0 : index
        %get3A_167 = tpu.vector_load %arg8[%get3A_165, %get3A_166] {strides = array<i32>} : memref<128x64xf32, #tpu.memory_space<vmem>>, vector<16xf32>,
        %bitcast3A_168 = vector.bitcast %get3A_167 : vector<16xf32> to vector<32xbf16>
        %add3A_169 = arith.addf %bitcast3A, %bitcast3A_168 : vector<32xbf16>
        %add3A_170 = arith.constant 1 : i32
        %add3A_171 = arith.addi %mul3A_148, %add3A_170 : i32
        %get3A_172 = arith.index_cast %add3A_171 : i32 to index
        %get3A_173 = arith.constant 16 : index
        %get3A_174 = tpu.vector_load %arg8[%get3A_172, %get3A_173] {strides = array<i32>} : memref<128x64xf32, #tpu.memory_space<vmem>>, vector<16xf32>,
        %bitcast3A_175 = vector.bitcast %get3A_174 : vector<16xf32> to vector<32xbf16>
        %add3A_176 = arith.addf %bitcast3A_154, %bitcast3A_175 : vector<32xbf16>
        %add3A_177 = arith.constant 1 : i32
        %add3A_178 = arith.addi %mul3A_148, %add3A_177 : i32
        %get3A_179 = arith.index_cast %add3A_178 : i32 to index
        %get3A_180 = arith.constant 32 : index
        %get3A_181 = tpu.vector_load %arg8[%get3A_179, %get3A_180] {strides = array<i32>} : memref<128x64xf32, #tpu.memory_space<vmem>>, vector<16xf32>,
        %bitcast3A_182 = vector.bitcast %get3A_181 : vector<16xf32> to vector<32xbf16>
        %add3A_183 = arith.addf %bitcast3A_158, %bitcast3A_182 : vector<32xbf16>
        %add3A_184 = arith.constant 1 : i32
        %add3A_185 = arith.addi %mul3A_148, %add3A_184 : i32
        %get3A_186 = arith.index_cast %add3A_185 : i32 to index
        %get3A_187 = arith.constant 48 : index
        %get3A_188 = tpu.vector_load %arg8[%get3A_186, %get3A_187] {strides = array<i32>} : memref<128x64xf32, #tpu.memory_space<vmem>>, vector<16xf32>,
        %bitcast3A_189 = vector.bitcast %get3A_188 : vector<16xf32> to vector<32xbf16>
        %add3A_190 = arith.addf %bitcast3A_162, %bitcast3A_189 : vector<32xbf16>
        %add3A_191 = arith.constant 2 : i32
        %add3A_192 = arith.addi %mul3A_148, %add3A_191 : i32
        %get3A_193 = arith.index_cast %add3A_192 : i32 to index
        %get3A_194 = arith.constant 0 : index
        %get3A_195 = tpu.vector_load %arg8[%get3A_193, %get3A_194] {strides = array<i32>} : memref<128x64xf32, #tpu.memory_space<vmem>>, vector<16xf32>,
        %bitcast3A_196 = vector.bitcast %get3A_195 : vector<16xf32> to vector<32xbf16>
        %add3A_197 = arith.addf %add3A_169, %bitcast3A_196 : vector<32xbf16>
        %add3A_198 = arith.constant 2 : i32
        %add3A_199 = arith.addi %mul3A_148, %add3A_198 : i32
        %get3A_200 = arith.index_cast %add3A_199 : i32 to index
        %get3A_201 = arith.constant 16 : index
        %get3A_202 = tpu.vector_load %arg8[%get3A_200, %get3A_201] {strides = array<i32>} : memref<128x64xf32, #tpu.memory_space<vmem>>, vector<16xf32>,
        %bitcast3A_203 = vector.bitcast %get3A_202 : vector<16xf32> to vector<32xbf16>
        %add3A_204 = arith.addf %add3A_176, %bitcast3A_203 : vector<32xbf16>
        %add3A_205 = arith.constant 2 : i32
        %add3A_206 = arith.addi %mul3A_148, %add3A_205 : i32
        %get3A_207 = arith.index_cast %add3A_206 : i32 to index
        %get3A_208 = arith.constant 32 : index
        %get3A_209 = tpu.vector_load %arg8[%get3A_207, %get3A_208] {strides = array<i32>} : memref<128x64xf32, #tpu.memory_space<vmem>>, vector<16xf32>,
        %bitcast3A_210 = vector.bitcast %get3A_209 : vector<16xf32> to vector<32xbf16>
        %add3A_211 = arith.addf %add3A_183, %bitcast3A_210 : vector<32xbf16>
        %add3A_212 = arith.constant 2 : i32
        %add3A_213 = arith.addi %mul3A_148, %add3A_212 : i32
        %get3A_214 = arith.index_cast %add3A_213 : i32 to index
        %get3A_215 = arith.constant 48 : index
        %get3A_216 = tpu.vector_load %arg8[%get3A_214, %get3A_215] {strides = array<i32>} : memref<128x64xf32, #tpu.memory_space<vmem>>, vector<16xf32>,
        %bitcast3A_217 = vector.bitcast %get3A_216 : vector<16xf32> to vector<32xbf16>
        %add3A_218 = arith.addf %add3A_190, %bitcast3A_217 : vector<32xbf16>
        %add3A_219 = arith.constant 3 : i32
        %add3A_220 = arith.addi %mul3A_148, %add3A_219 : i32
        %get3A_221 = arith.index_cast %add3A_220 : i32 to index
        %get3A_222 = arith.constant 0 : index
        %get3A_223 = tpu.vector_load %arg8[%get3A_221, %get3A_222] {strides = array<i32>} : memref<128x64xf32, #tpu.memory_space<vmem>>, vector<16xf32>,
        %bitcast3A_224 = vector.bitcast %get3A_223 : vector<16xf32> to vector<32xbf16>
        %add3A_225 = arith.addf %add3A_197, %bitcast3A_224 : vector<32xbf16>
        %add3A_226 = arith.constant 3 : i32
        %add3A_227 = arith.addi %mul3A_148, %add3A_226 : i32
        %get3A_228 = arith.index_cast %add3A_227 : i32 to index
        %get3A_229 = arith.constant 16 : index
        %get3A_230 = tpu.vector_load %arg8[%get3A_228, %get3A_229] {strides = array<i32>} : memref<128x64xf32, #tpu.memory_space<vmem>>, vector<16xf32>,
        %bitcast3A_231 = vector.bitcast %get3A_230 : vector<16xf32> to vector<32xbf16>
        %add3A_232 = arith.addf %add3A_204, %bitcast3A_231 : vector<32xbf16>
        %add3A_233 = arith.constant 3 : i32
        %add3A_234 = arith.addi %mul3A_148, %add3A_233 : i32
        %get3A_235 = arith.index_cast %add3A_234 : i32 to index
        %get3A_236 = arith.constant 32 : index
        %get3A_237 = tpu.vector_load %arg8[%get3A_235, %get3A_236] {strides = array<i32>} : memref<128x64xf32, #tpu.memory_space<vmem>>, vector<16xf32>,
        %bitcast3A_238 = vector.bitcast %get3A_237 : vector<16xf32> to vector<32xbf16>
        %add3A_239 = arith.addf %add3A_211, %bitcast3A_238 : vector<32xbf16>
        %add3A_240 = arith.constant 3 : i32
        %add3A_241 = arith.addi %mul3A_148, %add3A_240 : i32
        %get3A_242 = arith.index_cast %add3A_241 : i32 to index
        %get3A_243 = arith.constant 48 : index
        %get3A_244 = tpu.vector_load %arg8[%get3A_242, %get3A_243] {strides = array<i32>} : memref<128x64xf32, #tpu.memory_space<vmem>>, vector<16xf32>,
        %bitcast3A_245 = vector.bitcast %get3A_244 : vector<16xf32> to vector<32xbf16>
        %add3A_246 = arith.addf %add3A_218, %bitcast3A_245 : vector<32xbf16>
        %add3A_247 = arith.constant 4 : i32
        %add3A_248 = arith.addi %mul3A_148, %add3A_247 : i32
        %get3A_249 = arith.index_cast %add3A_248 : i32 to index
        %get3A_250 = arith.constant 0 : index
        %get3A_251 = tpu.vector_load %arg8[%get3A_249, %get3A_250] {strides = array<i32>} : memref<128x64xf32, #tpu.memory_space<vmem>>, vector<16xf32>,
        %bitcast3A_252 = vector.bitcast %get3A_251 : vector<16xf32> to vector<32xbf16>
        %add3A_253 = arith.addf %add3A_225, %bitcast3A_252 : vector<32xbf16>
        %add3A_254 = arith.constant 4 : i32
        %add3A_255 = arith.addi %mul3A_148, %add3A_254 : i32
        %get3A_256 = arith.index_cast %add3A_255 : i32 to index
        %get3A_257 = arith.constant 16 : index
        %get3A_258 = tpu.vector_load %arg8[%get3A_256, %get3A_257] {strides = array<i32>} : memref<128x64xf32, #tpu.memory_space<vmem>>, vector<16xf32>,
        %bitcast3A_259 = vector.bitcast %get3A_258 : vector<16xf32> to vector<32xbf16>
        %add3A_260 = arith.addf %add3A_232, %bitcast3A_259 : vector<32xbf16>
        %add3A_261 = arith.constant 4 : i32
        %add3A_262 = arith.addi %mul3A_148, %add3A_261 : i32
        %get3A_263 = arith.index_cast %add3A_262 : i32 to index
        %get3A_264 = arith.constant 32 : index
        %get3A_265 = tpu.vector_load %arg8[%get3A_263, %get3A_264] {strides = array<i32>} : memref<128x64xf32, #tpu.memory_space<vmem>>, vector<16xf32>,
        %bitcast3A_266 = vector.bitcast %get3A_265 : vector<16xf32> to vector<32xbf16>
        %add3A_267 = arith.addf %add3A_239, %bitcast3A_266 : vector<32xbf16>
        %add3A_268 = arith.constant 4 : i32
        %add3A_269 = arith.addi %mul3A_148, %add3A_268 : i32
        %get3A_270 = arith.index_cast %add3A_269 : i32 to index
        %get3A_271 = arith.constant 48 : index
        %get3A_272 = tpu.vector_load %arg8[%get3A_270, %get3A_271] {strides = array<i32>} : memref<128x64xf32, #tpu.memory_space<vmem>>, vector<16xf32>,
        %bitcast3A_273 = vector.bitcast %get3A_272 : vector<16xf32> to vector<32xbf16>
        %add3A_274 = arith.addf %add3A_246, %bitcast3A_273 : vector<32xbf16>
        %add3A_275 = arith.constant 5 : i32
        %add3A_276 = arith.addi %mul3A_148, %add3A_275 : i32
        %get3A_277 = arith.index_cast %add3A_276 : i32 to index
        %get3A_278 = arith.constant 0 : index
        %get3A_279 = tpu.vector_load %arg8[%get3A_277, %get3A_278] {strides = array<i32>} : memref<128x64xf32, #tpu.memory_space<vmem>>, vector<16xf32>,
        %bitcast3A_280 = vector.bitcast %get3A_279 : vector<16xf32> to vector<32xbf16>
        %add3A_281 = arith.addf %add3A_253, %bitcast3A_280 : vector<32xbf16>
        %add3A_282 = arith.constant 5 : i32
        %add3A_283 = arith.addi %mul3A_148, %add3A_282 : i32
        %get3A_284 = arith.index_cast %add3A_283 : i32 to index
        %get3A_285 = arith.constant 16 : index
        %get3A_286 = tpu.vector_load %arg8[%get3A_284, %get3A_285] {strides = array<i32>} : memref<128x64xf32, #tpu.memory_space<vmem>>, vector<16xf32>,
        %bitcast3A_287 = vector.bitcast %get3A_286 : vector<16xf32> to vector<32xbf16>
        %add3A_288 = arith.addf %add3A_260, %bitcast3A_287 : vector<32xbf16>
        %add3A_289 = arith.constant 5 : i32
        %add3A_290 = arith.addi %mul3A_148, %add3A_289 : i32
        %get3A_291 = arith.index_cast %add3A_290 : i32 to index
        %get3A_292 = arith.constant 32 : index
        %get3A_293 = tpu.vector_load %arg8[%get3A_291, %get3A_292] {strides = array<i32>} : memref<128x64xf32, #tpu.memory_space<vmem>>, vector<16xf32>,
        %bitcast3A_294 = vector.bitcast %get3A_293 : vector<16xf32> to vector<32xbf16>
        %add3A_295 = arith.addf %add3A_267, %bitcast3A_294 : vector<32xbf16>
        %add3A_296 = arith.constant 5 : i32
        %add3A_297 = arith.addi %mul3A_148, %add3A_296 : i32
        %get3A_298 = arith.index_cast %add3A_297 : i32 to index
        %get3A_299 = arith.constant 48 : index
        %get3A_300 = tpu.vector_load %arg8[%get3A_298, %get3A_299] {strides = array<i32>} : memref<128x64xf32, #tpu.memory_space<vmem>>, vector<16xf32>,
        %bitcast3A_301 = vector.bitcast %get3A_300 : vector<16xf32> to vector<32xbf16>
        %add3A_302 = arith.addf %add3A_274, %bitcast3A_301 : vector<32xbf16>
        %add3A_303 = arith.constant 6 : i32
        %add3A_304 = arith.addi %mul3A_148, %add3A_303 : i32
        %get3A_305 = arith.index_cast %add3A_304 : i32 to index
        %get3A_306 = arith.constant 0 : index
        %get3A_307 = tpu.vector_load %arg8[%get3A_305, %get3A_306] {strides = array<i32>} : memref<128x64xf32, #tpu.memory_space<vmem>>, vector<16xf32>,
        %bitcast3A_308 = vector.bitcast %get3A_307 : vector<16xf32> to vector<32xbf16>
        %add3A_309 = arith.addf %add3A_281, %bitcast3A_308 : vector<32xbf16>
        %add3A_310 = arith.constant 6 : i32
        %add3A_311 = arith.addi %mul3A_148, %add3A_310 : i32
        %get3A_312 = arith.index_cast %add3A_311 : i32 to index
        %get3A_313 = arith.constant 16 : index
        %get3A_314 = tpu.vector_load %arg8[%get3A_312, %get3A_313] {strides = array<i32>} : memref<128x64xf32, #tpu.memory_space<vmem>>, vector<16xf32>,
        %bitcast3A_315 = vector.bitcast %get3A_314 : vector<16xf32> to vector<32xbf16>
        %add3A_316 = arith.addf %add3A_288, %bitcast3A_315 : vector<32xbf16>
        %add3A_317 = arith.constant 6 : i32
        %add3A_318 = arith.addi %mul3A_148, %add3A_317 : i32
        %get3A_319 = arith.index_cast %add3A_318 : i32 to index
        %get3A_320 = arith.constant 32 : index
        %get3A_321 = tpu.vector_load %arg8[%get3A_319, %get3A_320] {strides = array<i32>} : memref<128x64xf32, #tpu.memory_space<vmem>>, vector<16xf32>,
        %bitcast3A_322 = vector.bitcast %get3A_321 : vector<16xf32> to vector<32xbf16>
        %add3A_323 = arith.addf %add3A_295, %bitcast3A_322 : vector<32xbf16>
        %add3A_324 = arith.constant 6 : i32
        %add3A_325 = arith.addi %mul3A_148, %add3A_324 : i32
        %get3A_326 = arith.index_cast %add3A_325 : i32 to index
        %get3A_327 = arith.constant 48 : index
        %get3A_328 = tpu.vector_load %arg8[%get3A_326, %get3A_327] {strides = array<i32>} : memref<128x64xf32, #tpu.memory_space<vmem>>, vector<16xf32>,
        %bitcast3A_329 = vector.bitcast %get3A_328 : vector<16xf32> to vector<32xbf16>
        %add3A_330 = arith.addf %add3A_302, %bitcast3A_329 : vector<32xbf16>
        %add3A_331 = arith.constant 7 : i32
        %add3A_332 = arith.addi %mul3A_148, %add3A_331 : i32
        %get3A_333 = arith.index_cast %add3A_332 : i32 to index
        %get3A_334 = arith.constant 0 : index
        %get3A_335 = tpu.vector_load %arg8[%get3A_333, %get3A_334] {strides = array<i32>} : memref<128x64xf32, #tpu.memory_space<vmem>>, vector<16xf32>,
        %bitcast3A_336 = vector.bitcast %get3A_335 : vector<16xf32> to vector<32xbf16>
        %add3A_337 = arith.addf %add3A_309, %bitcast3A_336 : vector<32xbf16>
        %add3A_338 = arith.constant 7 : i32
        %add3A_339 = arith.addi %mul3A_148, %add3A_338 : i32
        %get3A_340 = arith.index_cast %add3A_339 : i32 to index
        %get3A_341 = arith.constant 16 : index
        %get3A_342 = tpu.vector_load %arg8[%get3A_340, %get3A_341] {strides = array<i32>} : memref<128x64xf32, #tpu.memory_space<vmem>>, vector<16xf32>,
        %bitcast3A_343 = vector.bitcast %get3A_342 : vector<16xf32> to vector<32xbf16>
        %add3A_344 = arith.addf %add3A_316, %bitcast3A_343 : vector<32xbf16>
        %add3A_345 = arith.constant 7 : i32
        %add3A_346 = arith.addi %mul3A_148, %add3A_345 : i32
        %get3A_347 = arith.index_cast %add3A_346 : i32 to index
        %get3A_348 = arith.constant 32 : index
        %get3A_349 = tpu.vector_load %arg8[%get3A_347, %get3A_348] {strides = array<i32>} : memref<128x64xf32, #tpu.memory_space<vmem>>, vector<16xf32>,
        %bitcast3A_350 = vector.bitcast %get3A_349 : vector<16xf32> to vector<32xbf16>
        %add3A_351 = arith.addf %add3A_323, %bitcast3A_350 : vector<32xbf16>
        %add3A_352 = arith.constant 7 : i32
        %add3A_353 = arith.addi %mul3A_148, %add3A_352 : i32
        %get3A_354 = arith.index_cast %add3A_353 : i32 to index
        %get3A_355 = arith.constant 48 : index
        %get3A_356 = tpu.vector_load %arg8[%get3A_354, %get3A_355] {strides = array<i32>} : memref<128x64xf32, #tpu.memory_space<vmem>>, vector<16xf32>,
        %bitcast3A_357 = vector.bitcast %get3A_356 : vector<16xf32> to vector<32xbf16>
        %add3A_358 = arith.addf %add3A_330, %bitcast3A_357 : vector<32xbf16>
        %add3A_359 = arith.constant 8 : i32
        %add3A_360 = arith.addi %mul3A_148, %add3A_359 : i32
        %get3A_361 = arith.index_cast %add3A_360 : i32 to index
        %get3A_362 = arith.constant 0 : index
        %get3A_363 = tpu.vector_load %arg8[%get3A_361, %get3A_362] {strides = array<i32>} : memref<128x64xf32, #tpu.memory_space<vmem>>, vector<16xf32>,
        %bitcast3A_364 = vector.bitcast %get3A_363 : vector<16xf32> to vector<32xbf16>
        %add3A_365 = arith.addf %add3A_337, %bitcast3A_364 : vector<32xbf16>
        %add3A_366 = arith.constant 8 : i32
        %add3A_367 = arith.addi %mul3A_148, %add3A_366 : i32
        %get3A_368 = arith.index_cast %add3A_367 : i32 to index
        %get3A_369 = arith.constant 16 : index
        %get3A_370 = tpu.vector_load %arg8[%get3A_368, %get3A_369] {strides = array<i32>} : memref<128x64xf32, #tpu.memory_space<vmem>>, vector<16xf32>,
        %bitcast3A_371 = vector.bitcast %get3A_370 : vector<16xf32> to vector<32xbf16>
        %add3A_372 = arith.addf %add3A_344, %bitcast3A_371 : vector<32xbf16>
        %add3A_373 = arith.constant 8 : i32
        %add3A_374 = arith.addi %mul3A_148, %add3A_373 : i32
        %get3A_375 = arith.index_cast %add3A_374 : i32 to index
        %get3A_376 = arith.constant 32 : index
        %get3A_377 = tpu.vector_load %arg8[%get3A_375, %get3A_376] {strides = array<i32>} : memref<128x64xf32, #tpu.memory_space<vmem>>, vector<16xf32>,
        %bitcast3A_378 = vector.bitcast %get3A_377 : vector<16xf32> to vector<32xbf16>
        %add3A_379 = arith.addf %add3A_351, %bitcast3A_378 : vector<32xbf16>
        %add3A_380 = arith.constant 8 : i32
        %add3A_381 = arith.addi %mul3A_148, %add3A_380 : i32
        %get3A_382 = arith.index_cast %add3A_381 : i32 to index
        %get3A_383 = arith.constant 48 : index
        %get3A_384 = tpu.vector_load %arg8[%get3A_382, %get3A_383] {strides = array<i32>} : memref<128x64xf32, #tpu.memory_space<vmem>>, vector<16xf32>,
        %bitcast3A_385 = vector.bitcast %get3A_384 : vector<16xf32> to vector<32xbf16>
        %add3A_386 = arith.addf %add3A_358, %bitcast3A_385 : vector<32xbf16>
        %add3A_387 = arith.constant 9 : i32
        %add3A_388 = arith.addi %mul3A_148, %add3A_387 : i32
        %get3A_389 = arith.index_cast %add3A_388 : i32 to index
        %get3A_390 = arith.constant 0 : index
        %get3A_391 = tpu.vector_load %arg8[%get3A_389, %get3A_390] {strides = array<i32>} : memref<128x64xf32, #tpu.memory_space<vmem>>, vector<16xf32>,
        %bitcast3A_392 = vector.bitcast %get3A_391 : vector<16xf32> to vector<32xbf16>
        %add3A_393 = arith.addf %add3A_365, %bitcast3A_392 : vector<32xbf16>
        %add3A_394 = arith.constant 9 : i32
        %add3A_395 = arith.addi %mul3A_148, %add3A_394 : i32
        %get3A_396 = arith.index_cast %add3A_395 : i32 to index
        %get3A_397 = arith.constant 16 : index
        %get3A_398 = tpu.vector_load %arg8[%get3A_396, %get3A_397] {strides = array<i32>} : memref<128x64xf32, #tpu.memory_space<vmem>>, vector<16xf32>,
        %bitcast3A_399 = vector.bitcast %get3A_398 : vector<16xf32> to vector<32xbf16>
        %add3A_400 = arith.addf %add3A_372, %bitcast3A_399 : vector<32xbf16>
        %add3A_401 = arith.constant 9 : i32
        %add3A_402 = arith.addi %mul3A_148, %add3A_401 : i32
        %get3A_403 = arith.index_cast %add3A_402 : i32 to index
        %get3A_404 = arith.constant 32 : index
        %get3A_405 = tpu.vector_load %arg8[%get3A_403, %get3A_404] {strides = array<i32>} : memref<128x64xf32, #tpu.memory_space<vmem>>, vector<16xf32>,
        %bitcast3A_406 = vector.bitcast %get3A_405 : vector<16xf32> to vector<32xbf16>
        %add3A_407 = arith.addf %add3A_379, %bitcast3A_406 : vector<32xbf16>
        %add3A_408 = arith.constant 9 : i32
        %add3A_409 = arith.addi %mul3A_148, %add3A_408 : i32
        %get3A_410 = arith.index_cast %add3A_409 : i32 to index
        %get3A_411 = arith.constant 48 : index
        %get3A_412 = tpu.vector_load %arg8[%get3A_410, %get3A_411] {strides = array<i32>} : memref<128x64xf32, #tpu.memory_space<vmem>>, vector<16xf32>,
        %bitcast3A_413 = vector.bitcast %get3A_412 : vector<16xf32> to vector<32xbf16>
        %add3A_414 = arith.addf %add3A_386, %bitcast3A_413 : vector<32xbf16>
        %add3A_415 = arith.constant 10 : i32
        %add3A_416 = arith.addi %mul3A_148, %add3A_415 : i32
        %get3A_417 = arith.index_cast %add3A_416 : i32 to index
        %get3A_418 = arith.constant 0 : index
        %get3A_419 = tpu.vector_load %arg8[%get3A_417, %get3A_418] {strides = array<i32>} : memref<128x64xf32, #tpu.memory_space<vmem>>, vector<16xf32>,
        %bitcast3A_420 = vector.bitcast %get3A_419 : vector<16xf32> to vector<32xbf16>
        %add3A_421 = arith.addf %add3A_393, %bitcast3A_420 : vector<32xbf16>
        %add3A_422 = arith.constant 10 : i32
        %add3A_423 = arith.addi %mul3A_148, %add3A_422 : i32
        %get3A_424 = arith.index_cast %add3A_423 : i32 to index
        %get3A_425 = arith.constant 16 : index
        %get3A_426 = tpu.vector_load %arg8[%get3A_424, %get3A_425] {strides = array<i32>} : memref<128x64xf32, #tpu.memory_space<vmem>>, vector<16xf32>,
        %bitcast3A_427 = vector.bitcast %get3A_426 : vector<16xf32> to vector<32xbf16>
        %add3A_428 = arith.addf %add3A_400, %bitcast3A_427 : vector<32xbf16>
        %add3A_429 = arith.constant 10 : i32
        %add3A_430 = arith.addi %mul3A_148, %add3A_429 : i32
        %get3A_431 = arith.index_cast %add3A_430 : i32 to index
        %get3A_432 = arith.constant 32 : index
        %get3A_433 = tpu.vector_load %arg8[%get3A_431, %get3A_432] {strides = array<i32>} : memref<128x64xf32, #tpu.memory_space<vmem>>, vector<16xf32>,
        %bitcast3A_434 = vector.bitcast %get3A_433 : vector<16xf32> to vector<32xbf16>
        %add3A_435 = arith.addf %add3A_407, %bitcast3A_434 : vector<32xbf16>
        %add3A_436 = arith.constant 10 : i32
        %add3A_437 = arith.addi %mul3A_148, %add3A_436 : i32
        %get3A_438 = arith.index_cast %add3A_437 : i32 to index
        %get3A_439 = arith.constant 48 : index
        %get3A_440 = tpu.vector_load %arg8[%get3A_438, %get3A_439] {strides = array<i32>} : memref<128x64xf32, #tpu.memory_space<vmem>>, vector<16xf32>,
        %bitcast3A_441 = vector.bitcast %get3A_440 : vector<16xf32> to vector<32xbf16>
        %add3A_442 = arith.addf %add3A_414, %bitcast3A_441 : vector<32xbf16>
        %add3A_443 = arith.constant 11 : i32
        %add3A_444 = arith.addi %mul3A_148, %add3A_443 : i32
        %get3A_445 = arith.index_cast %add3A_444 : i32 to index
        %get3A_446 = arith.constant 0 : index
        %get3A_447 = tpu.vector_load %arg8[%get3A_445, %get3A_446] {strides = array<i32>} : memref<128x64xf32, #tpu.memory_space<vmem>>, vector<16xf32>,
        %bitcast3A_448 = vector.bitcast %get3A_447 : vector<16xf32> to vector<32xbf16>
        %add3A_449 = arith.addf %add3A_421, %bitcast3A_448 : vector<32xbf16>
        %add3A_450 = arith.constant 11 : i32
        %add3A_451 = arith.addi %mul3A_148, %add3A_450 : i32
        %get3A_452 = arith.index_cast %add3A_451 : i32 to index
        %get3A_453 = arith.constant 16 : index
        %get3A_454 = tpu.vector_load %arg8[%get3A_452, %get3A_453] {strides = array<i32>} : memref<128x64xf32, #tpu.memory_space<vmem>>, vector<16xf32>,
        %bitcast3A_455 = vector.bitcast %get3A_454 : vector<16xf32> to vector<32xbf16>
        %add3A_456 = arith.addf %add3A_428, %bitcast3A_455 : vector<32xbf16>
        %add3A_457 = arith.constant 11 : i32
        %add3A_458 = arith.addi %mul3A_148, %add3A_457 : i32
        %get3A_459 = arith.index_cast %add3A_458 : i32 to index
        %get3A_460 = arith.constant 32 : index
        %get3A_461 = tpu.vector_load %arg8[%get3A_459, %get3A_460] {strides = array<i32>} : memref<128x64xf32, #tpu.memory_space<vmem>>, vector<16xf32>,
        %bitcast3A_462 = vector.bitcast %get3A_461 : vector<16xf32> to vector<32xbf16>
        %add3A_463 = arith.addf %add3A_435, %bitcast3A_462 : vector<32xbf16>
        %add3A_464 = arith.constant 11 : i32
        %add3A_465 = arith.addi %mul3A_148, %add3A_464 : i32
        %get3A_466 = arith.index_cast %add3A_465 : i32 to index
        %get3A_467 = arith.constant 48 : index
        %get3A_468 = tpu.vector_load %arg8[%get3A_466, %get3A_467] {strides = array<i32>} : memref<128x64xf32, #tpu.memory_space<vmem>>, vector<16xf32>,
        %bitcast3A_469 = vector.bitcast %get3A_468 : vector<16xf32> to vector<32xbf16>
        %add3A_470 = arith.addf %add3A_442, %bitcast3A_469 : vector<32xbf16>
        %add3A_471 = arith.constant 12 : i32
        %add3A_472 = arith.addi %mul3A_148, %add3A_471 : i32
        %get3A_473 = arith.index_cast %add3A_472 : i32 to index
        %get3A_474 = arith.constant 0 : index
        %get3A_475 = tpu.vector_load %arg8[%get3A_473, %get3A_474] {strides = array<i32>} : memref<128x64xf32, #tpu.memory_space<vmem>>, vector<16xf32>,
        %bitcast3A_476 = vector.bitcast %get3A_475 : vector<16xf32> to vector<32xbf16>
        %add3A_477 = arith.addf %add3A_449, %bitcast3A_476 : vector<32xbf16>
        %add3A_478 = arith.constant 12 : i32
        %add3A_479 = arith.addi %mul3A_148, %add3A_478 : i32
        %get3A_480 = arith.index_cast %add3A_479 : i32 to index
        %get3A_481 = arith.constant 16 : index
        %get3A_482 = tpu.vector_load %arg8[%get3A_480, %get3A_481] {strides = array<i32>} : memref<128x64xf32, #tpu.memory_space<vmem>>, vector<16xf32>,
        %bitcast3A_483 = vector.bitcast %get3A_482 : vector<16xf32> to vector<32xbf16>
        %add3A_484 = arith.addf %add3A_456, %bitcast3A_483 : vector<32xbf16>
        %add3A_485 = arith.constant 12 : i32
        %add3A_486 = arith.addi %mul3A_148, %add3A_485 : i32
        %get3A_487 = arith.index_cast %add3A_486 : i32 to index
        %get3A_488 = arith.constant 32 : index
        %get3A_489 = tpu.vector_load %arg8[%get3A_487, %get3A_488] {strides = array<i32>} : memref<128x64xf32, #tpu.memory_space<vmem>>, vector<16xf32>,
        %bitcast3A_490 = vector.bitcast %get3A_489 : vector<16xf32> to vector<32xbf16>
        %add3A_491 = arith.addf %add3A_463, %bitcast3A_490 : vector<32xbf16>
        %add3A_492 = arith.constant 12 : i32
        %add3A_493 = arith.addi %mul3A_148, %add3A_492 : i32
        %get3A_494 = arith.index_cast %add3A_493 : i32 to index
        %get3A_495 = arith.constant 48 : index
        %get3A_496 = tpu.vector_load %arg8[%get3A_494, %get3A_495] {strides = array<i32>} : memref<128x64xf32, #tpu.memory_space<vmem>>, vector<16xf32>,
        %bitcast3A_497 = vector.bitcast %get3A_496 : vector<16xf32> to vector<32xbf16>
        %add3A_498 = arith.addf %add3A_470, %bitcast3A_497 : vector<32xbf16>
        %add3A_499 = arith.constant 13 : i32
        %add3A_500 = arith.addi %mul3A_148, %add3A_499 : i32
        %get3A_501 = arith.index_cast %add3A_500 : i32 to index
        %get3A_502 = arith.constant 0 : index
        %get3A_503 = tpu.vector_load %arg8[%get3A_501, %get3A_502] {strides = array<i32>} : memref<128x64xf32, #tpu.memory_space<vmem>>, vector<16xf32>,
        %bitcast3A_504 = vector.bitcast %get3A_503 : vector<16xf32> to vector<32xbf16>
        %add3A_505 = arith.addf %add3A_477, %bitcast3A_504 : vector<32xbf16>
        %add3A_506 = arith.constant 13 : i32
        %add3A_507 = arith.addi %mul3A_148, %add3A_506 : i32
        %get3A_508 = arith.index_cast %add3A_507 : i32 to index
        %get3A_509 = arith.constant 16 : index
        %get3A_510 = tpu.vector_load %arg8[%get3A_508, %get3A_509] {strides = array<i32>} : memref<128x64xf32, #tpu.memory_space<vmem>>, vector<16xf32>,
        %bitcast3A_511 = vector.bitcast %get3A_510 : vector<16xf32> to vector<32xbf16>
        %add3A_512 = arith.addf %add3A_484, %bitcast3A_511 : vector<32xbf16>
        %add3A_513 = arith.constant 13 : i32
        %add3A_514 = arith.addi %mul3A_148, %add3A_513 : i32
        %get3A_515 = arith.index_cast %add3A_514 : i32 to index
        %get3A_516 = arith.constant 32 : index
        %get3A_517 = tpu.vector_load %arg8[%get3A_515, %get3A_516] {strides = array<i32>} : memref<128x64xf32, #tpu.memory_space<vmem>>, vector<16xf32>,
        %bitcast3A_518 = vector.bitcast %get3A_517 : vector<16xf32> to vector<32xbf16>
        %add3A_519 = arith.addf %add3A_491, %bitcast3A_518 : vector<32xbf16>
        %add3A_520 = arith.constant 13 : i32
        %add3A_521 = arith.addi %mul3A_148, %add3A_520 : i32
        %get3A_522 = arith.index_cast %add3A_521 : i32 to index
        %get3A_523 = arith.constant 48 : index
        %get3A_524 = tpu.vector_load %arg8[%get3A_522, %get3A_523] {strides = array<i32>} : memref<128x64xf32, #tpu.memory_space<vmem>>, vector<16xf32>,
        %bitcast3A_525 = vector.bitcast %get3A_524 : vector<16xf32> to vector<32xbf16>
        %add3A_526 = arith.addf %add3A_498, %bitcast3A_525 : vector<32xbf16>
        %add3A_527 = arith.constant 14 : i32
        %add3A_528 = arith.addi %mul3A_148, %add3A_527 : i32
        %get3A_529 = arith.index_cast %add3A_528 : i32 to index
        %get3A_530 = arith.constant 0 : index
        %get3A_531 = tpu.vector_load %arg8[%get3A_529, %get3A_530] {strides = array<i32>} : memref<128x64xf32, #tpu.memory_space<vmem>>, vector<16xf32>,
        %bitcast3A_532 = vector.bitcast %get3A_531 : vector<16xf32> to vector<32xbf16>
        %add3A_533 = arith.addf %add3A_505, %bitcast3A_532 : vector<32xbf16>
        %add3A_534 = arith.constant 14 : i32
        %add3A_535 = arith.addi %mul3A_148, %add3A_534 : i32
        %get3A_536 = arith.index_cast %add3A_535 : i32 to index
        %get3A_537 = arith.constant 16 : index
        %get3A_538 = tpu.vector_load %arg8[%get3A_536, %get3A_537] {strides = array<i32>} : memref<128x64xf32, #tpu.memory_space<vmem>>, vector<16xf32>,
        %bitcast3A_539 = vector.bitcast %get3A_538 : vector<16xf32> to vector<32xbf16>
        %add3A_540 = arith.addf %add3A_512, %bitcast3A_539 : vector<32xbf16>
        %add3A_541 = arith.constant 14 : i32
        %add3A_542 = arith.addi %mul3A_148, %add3A_541 : i32
        %get3A_543 = arith.index_cast %add3A_542 : i32 to index
        %get3A_544 = arith.constant 32 : index
        %get3A_545 = tpu.vector_load %arg8[%get3A_543, %get3A_544] {strides = array<i32>} : memref<128x64xf32, #tpu.memory_space<vmem>>, vector<16xf32>,
        %bitcast3A_546 = vector.bitcast %get3A_545 : vector<16xf32> to vector<32xbf16>
        %add3A_547 = arith.addf %add3A_519, %bitcast3A_546 : vector<32xbf16>
        %add3A_548 = arith.constant 14 : i32
        %add3A_549 = arith.addi %mul3A_148, %add3A_548 : i32
        %get3A_550 = arith.index_cast %add3A_549 : i32 to index
        %get3A_551 = arith.constant 48 : index
        %get3A_552 = tpu.vector_load %arg8[%get3A_550, %get3A_551] {strides = array<i32>} : memref<128x64xf32, #tpu.memory_space<vmem>>, vector<16xf32>,
        %bitcast3A_553 = vector.bitcast %get3A_552 : vector<16xf32> to vector<32xbf16>
        %add3A_554 = arith.addf %add3A_526, %bitcast3A_553 : vector<32xbf16>
        %add3A_555 = arith.constant 15 : i32
        %add3A_556 = arith.addi %mul3A_148, %add3A_555 : i32
        %get3A_557 = arith.index_cast %add3A_556 : i32 to index
        %get3A_558 = arith.constant 0 : index
        %get3A_559 = tpu.vector_load %arg8[%get3A_557, %get3A_558] {strides = array<i32>} : memref<128x64xf32, #tpu.memory_space<vmem>>, vector<16xf32>,
        %bitcast3A_560 = vector.bitcast %get3A_559 : vector<16xf32> to vector<32xbf16>
        %add3A_561 = arith.addf %add3A_533, %bitcast3A_560 : vector<32xbf16>
        %add3A_562 = arith.constant 15 : i32
        %add3A_563 = arith.addi %mul3A_148, %add3A_562 : i32
        %get3A_564 = arith.index_cast %add3A_563 : i32 to index
        %get3A_565 = arith.constant 16 : index
        %get3A_566 = tpu.vector_load %arg8[%get3A_564, %get3A_565] {strides = array<i32>} : memref<128x64xf32, #tpu.memory_space<vmem>>, vector<16xf32>,
        %bitcast3A_567 = vector.bitcast %get3A_566 : vector<16xf32> to vector<32xbf16>
        %add3A_568 = arith.addf %add3A_540, %bitcast3A_567 : vector<32xbf16>
        %add3A_569 = arith.constant 15 : i32
        %add3A_570 = arith.addi %mul3A_148, %add3A_569 : i32
        %get3A_571 = arith.index_cast %add3A_570 : i32 to index
        %get3A_572 = arith.constant 32 : index
        %get3A_573 = tpu.vector_load %arg8[%get3A_571, %get3A_572] {strides = array<i32>} : memref<128x64xf32, #tpu.memory_space<vmem>>, vector<16xf32>,
        %bitcast3A_574 = vector.bitcast %get3A_573 : vector<16xf32> to vector<32xbf16>
        %add3A_575 = arith.addf %add3A_547, %bitcast3A_574 : vector<32xbf16>
        %add3A_576 = arith.constant 15 : i32
        %add3A_577 = arith.addi %mul3A_148, %add3A_576 : i32
        %get3A_578 = arith.index_cast %add3A_577 : i32 to index
        %get3A_579 = arith.constant 48 : index
        %get3A_580 = tpu.vector_load %arg8[%get3A_578, %get3A_579] {strides = array<i32>} : memref<128x64xf32, #tpu.memory_space<vmem>>, vector<16xf32>,
        %bitcast3A_581 = vector.bitcast %get3A_580 : vector<16xf32> to vector<32xbf16>
        %add3A_582 = arith.addf %add3A_554, %bitcast3A_581 : vector<32xbf16>
        %bitcast3A_583 = vector.bitcast %add3A_561 : vector<32xbf16> to vector<16xf32>
        %mul3A_584 = arith.constant 64 : i32
        %mul3A_585 = arith.muli %scan3A_146, %mul3A_584 : i32
        %add3A_586 = arith.constant 0 : i32
        %add3A_587 = arith.addi %mul3A_585, %add3A_586 : i32
        %swap3A = arith.index_cast %add3A_587 : i32 to index
        %swap3A_588 = tpu.vector_load %arg11[%swap3A] {strides = array<i32>} : memref<512xf32, #tpu.memory_space<vmem>>, vector<16xf32>,
        tpu.vector_store %arg11[%swap3A], %bitcast3A_583 {strides = array<i32>} : memref<512xf32, #tpu.memory_space<vmem>>, vector<16xf32>,
        %bitcast3A_589 = vector.bitcast %add3A_568 : vector<32xbf16> to vector<16xf32>
        %mul3A_590 = arith.constant 64 : i32
        %mul3A_591 = arith.muli %scan3A_146, %mul3A_590 : i32
        %add3A_592 = arith.constant 16 : i32
        %add3A_593 = arith.addi %mul3A_591, %add3A_592 : i32
        %swap3A_594 = arith.index_cast %add3A_593 : i32 to index
        %swap3A_595 = tpu.vector_load %arg11[%swap3A_594] {strides = array<i32>} : memref<512xf32, #tpu.memory_space<vmem>>, vector<16xf32>,
        tpu.vector_store %arg11[%swap3A_594], %bitcast3A_589 {strides = array<i32>} : memref<512xf32, #tpu.memory_space<vmem>>, vector<16xf32>,
        %bitcast3A_596 = vector.bitcast %add3A_575 : vector<32xbf16> to vector<16xf32>
        %mul3A_597 = arith.constant 64 : i32
        %mul3A_598 = arith.muli %scan3A_146, %mul3A_597 : i32
        %add3A_599 = arith.constant 32 : i32
        %add3A_600 = arith.addi %mul3A_598, %add3A_599 : i32
        %swap3A_601 = arith.index_cast %add3A_600 : i32 to index
        %swap3A_602 = tpu.vector_load %arg11[%swap3A_601] {strides = array<i32>} : memref<512xf32, #tpu.memory_space<vmem>>, vector<16xf32>,
        tpu.vector_store %arg11[%swap3A_601], %bitcast3A_596 {strides = array<i32>} : memref<512xf32, #tpu.memory_space<vmem>>, vector<16xf32>,
        %bitcast3A_603 = vector.bitcast %add3A_582 : vector<32xbf16> to vector<16xf32>
        %mul3A_604 = arith.constant 64 : i32
        %mul3A_605 = arith.muli %scan3A_146, %mul3A_604 : i32
        %add3A_606 = arith.constant 48 : i32
        %add3A_607 = arith.addi %mul3A_605, %add3A_606 : i32
        %swap3A_608 = arith.index_cast %add3A_607 : i32 to index
        %swap3A_609 = tpu.vector_load %arg11[%swap3A_608] {strides = array<i32>} : memref<512xf32, #tpu.memory_space<vmem>>, vector<16xf32>,
        tpu.vector_store %arg11[%swap3A_608], %bitcast3A_603 {strides = array<i32>} : memref<512xf32, #tpu.memory_space<vmem>>, vector<16xf32>,
      }
      %scan3A_136 = arith.constant 8 : i32
      %add3A_137 = arith.constant 3 : i32
      %add3A_138 = arith.addi %add3A_111, %add3A_137 : i32
      %lt3A_139 = arith.constant 159 : i32
      %lt3A_140 = arith.cmpi slt, %add3A_138, %lt3A_139 : i32
      %convert_element_type3A_141 = arith.extui %lt3A_140 : i1 to i32
      %cond3A_142 = arith.constant 0 : i32
      %cond3A_143 = arith.cmpi ne, %convert_element_type3A_141, %cond3A_142 : i32
      scf.if %cond3A_143 {
        %add3A_146 = arith.constant 3 : i32
        %add3A_147 = arith.addi %add3A_111, %add3A_146 : i32
        %dma_start3A_148 = arith.constant 0 : i32
        %dma_start3A_149 = tpu.memref_slice %arg5[%add3A_147, %dma_start3A_148] : memref<160x128xi32, #tpu.memory_space<vmem>> -> memref<1x128xi32, #tpu.memory_space<vmem>>
        %dma_start3A_150 = tpu.memref_squeeze %dma_start3A_149 : memref<1x128xi32, #tpu.memory_space<vmem>> -> memref<128xi32, #tpu.memory_space<vmem>>
        %dma_start3A_151 = arith.constant 0 : i32
        %dma_start3A_152 = arith.constant 0 : i32
        %dma_start3A_153 = tpu.memref_slice %arg2[%dma_start3A_151, %dma_start3A_152] : memref<40000x64xf32, #tpu.memory_space<hbm>> -> memref<40000x64xf32, #tpu.memory_space<hbm>>
        tpu.enqueue_indirect_dma source(%dma_start3A_153 : memref<40000x64xf32, #tpu.memory_space<hbm>>) target(%arg8 : memref<128x64xf32, #tpu.memory_space<vmem>>) offsets(%dma_start3A_150 : memref<128xi32, #tpu.memory_space<vmem>>) semaphore(%arg14 : memref<!tpu.dma_semaphore, #tpu.memory_space<semaphore_mem>>)
      } else {
      }
      %dma_start3A_144 = tpu.memref_slice %arg4[%multiple_of3A_119] : memref<2560000xf32, #tpu.memory_space<hbm>> -> memref<512xf32, #tpu.memory_space<hbm>>
      %dma_start3A_145 = tpu.memref_slice %arg4[%multiple_of3A_119] : memref<2560000xf32, #tpu.memory_space<hbm>> -> memref<512xf32, #tpu.memory_space<hbm>>
      tpu.enqueue_dma source(%arg11 : memref<512xf32, #tpu.memory_space<vmem>>) target(%dma_start3A_145 : memref<512xf32, #tpu.memory_space<hbm>>) target_semaphore(%arg17 : memref<!tpu.dma_semaphore, #tpu.memory_space<semaphore_mem>>)
    }
    %scan3A_25 = arith.constant 53 : i32
    %dma_wait3A = arith.constant 0 : i32
    %dma_wait3A_26 = tpu.memref_slice %arg4[%dma_wait3A] : memref<2560000xf32, #tpu.memory_space<hbm>> -> memref<512xf32, #tpu.memory_space<hbm>>
    %dma_wait3A_27 = arith.constant 0 : i32
    %dma_wait3A_28 = tpu.memref_slice %arg4[%dma_wait3A_27] : memref<2560000xf32, #tpu.memory_space<hbm>> -> memref<512xf32, #tpu.memory_space<hbm>>
    tpu.wait_dma2 semaphore(%arg15 : memref<!tpu.dma_semaphore, #tpu.memory_space<semaphore_mem>>) src(%arg9 : memref<512xf32, #tpu.memory_space<vmem>>) dst(%dma_wait3A_28 : memref<512xf32, #tpu.memory_space<hbm>>)
    %dma_wait3A_29 = arith.constant 0 : i32
    %dma_wait3A_30 = tpu.memref_slice %arg4[%dma_wait3A_29] : memref<2560000xf32, #tpu.memory_space<hbm>> -> memref<512xf32, #tpu.memory_space<hbm>>
    %dma_wait3A_31 = arith.constant 0 : i32
    %dma_wait3A_32 = tpu.memref_slice %arg4[%dma_wait3A_31] : memref<2560000xf32, #tpu.memory_space<hbm>> -> memref<512xf32, #tpu.memory_space<hbm>>
    tpu.wait_dma2 semaphore(%arg16 : memref<!tpu.dma_semaphore, #tpu.memory_space<semaphore_mem>>) src(%arg10 : memref<512xf32, #tpu.memory_space<vmem>>) dst(%dma_wait3A_32 : memref<512xf32, #tpu.memory_space<hbm>>)
    %dma_wait3A_33 = arith.constant 0 : i32
    %dma_wait3A_34 = tpu.memref_slice %arg4[%dma_wait3A_33] : memref<2560000xf32, #tpu.memory_space<hbm>> -> memref<512xf32, #tpu.memory_space<hbm>>
    %dma_wait3A_35 = arith.constant 0 : i32
    %dma_wait3A_36 = tpu.memref_slice %arg4[%dma_wait3A_35] : memref<2560000xf32, #tpu.memory_space<hbm>> -> memref<512xf32, #tpu.memory_space<hbm>>
    tpu.wait_dma2 semaphore(%arg17 : memref<!tpu.dma_semaphore, #tpu.memory_space<semaphore_mem>>) src(%arg11 : memref<512xf32, #tpu.memory_space<vmem>>) dst(%dma_wait3A_36 : memref<512xf32, #tpu.memory_space<hbm>>)
    return
  }
}

module attributes {stable_mosaic.version = 14 : i64} {
  func.func @body(%arg0: i32, %arg1: memref<2000x128xf32, #tpu.memory_space<vmem>>, %arg2: memref<2000x64xf32, #tpu.memory_space<vmem>>) attributes {dimension_semantics = [#tpu.dimension_semantics<arbitrary>], iteration_bounds = array<i64: 20>, scalar_prefetch = 0 : i64, scratch_operands = 0 : i64, tpu.core_type = #tpu.core_type<tc>, window_params = [{transform_indices = @transform_0, window_bounds = array<i64: 2000, 128>}, {transform_indices = @transform_1, window_bounds = array<i64: 2000, 64>}]} {
    %get3A = arith.constant 0 : index
    %get3A_0 = arith.constant 0 : index
    %get3A_1 = vector.load %arg1[%get3A, %get3A_0] : memref<2000x128xf32, #tpu.memory_space<vmem>>, vector<2000x128xf32>
    %bitcast_convert_type3A = tpu.bitcast %get3A_1 : vector<2000x128xf32> -> vector<2000x128xi32>
    %add3A = arith.constant 32767 : i32
    %add3A_2 = vector.broadcast %add3A : i32 to vector<2000x128xi32>
    %add3A_3 = arith.addi %bitcast_convert_type3A, %add3A_2 : vector<2000x128xi32>
    %shift_right_logical3A = arith.constant 16 : i32
    %shift_right_logical3A_4 = vector.broadcast %shift_right_logical3A : i32 to vector<2000x128xi32>
    %shift_right_logical3A_5 = arith.shrui %bitcast_convert_type3A, %shift_right_logical3A_4 : vector<2000x128xi32>
    %and3A = arith.constant 1 : i32
    %and3A_6 = vector.broadcast %and3A : i32 to vector<2000x128xi32>
    %and3A_7 = arith.andi %shift_right_logical3A_5, %and3A_6 : vector<2000x128xi32>
    %add3A_8 = arith.addi %add3A_3, %and3A_7 : vector<2000x128xi32>
    %slice3A = vector.extract_strided_slice %add3A_8 {offsets = [0, 0], sizes = [2000, 64], strides = [1, 1]} : vector<2000x128xi32> to vector<2000x64xi32>
    %shift_right_logical3A_9 = arith.constant 16 : i32
    %shift_right_logical3A_10 = vector.broadcast %shift_right_logical3A_9 : i32 to vector<2000x64xi32>
    %shift_right_logical3A_11 = arith.shrui %slice3A, %shift_right_logical3A_10 : vector<2000x64xi32>
    %slice3A_12 = vector.extract_strided_slice %add3A_8 {offsets = [0, 64], sizes = [2000, 64], strides = [1, 1]} : vector<2000x128xi32> to vector<2000x64xi32>
    %and3A_13 = arith.constant -65536 : i32
    %and3A_14 = vector.broadcast %and3A_13 : i32 to vector<2000x64xi32>
    %and3A_15 = arith.andi %slice3A_12, %and3A_14 : vector<2000x64xi32>
    %or3A = arith.ori %shift_right_logical3A_11, %and3A_15 : vector<2000x64xi32>
    %bitcast_convert_type3A_16 = tpu.bitcast %or3A : vector<2000x64xi32> -> vector<2000x64xf32>
    %swap3A = arith.constant 0 : index
    %swap3A_17 = arith.constant 0 : index
    %swap3A_18 = vector.load %arg2[%swap3A, %swap3A_17] : memref<2000x64xf32, #tpu.memory_space<vmem>>, vector<2000x64xf32>
    tpu.vector_store %arg2[%swap3A, %swap3A_17], %bitcast_convert_type3A_16 {strides = array<i32>} : memref<2000x64xf32, #tpu.memory_space<vmem>>, vector<2000x64xf32>,
    return
  }
  func.func @transform_0(%arg0: i32) -> (i32, i32) {
    %c0_i32 = arith.constant 0 : i32
    %c0_i32_0 = arith.constant 0 : i32
    return %arg0, %c0_i32 : i32, i32
  }
  func.func @transform_1(%arg0: i32) -> (i32, i32) {
    %c0_i32 = arith.constant 0 : i32
    %c0_i32_0 = arith.constant 0 : i32
    return %arg0, %c0_i32 : i32, i32
  }
}

module attributes {stable_mosaic.version = 14 : i64} {
  func.func @body(%arg0: i32, %arg1: memref<1000x512xf32, #tpu.memory_space<vmem>>, %arg2: memref<4x1000x64xf32, #tpu.memory_space<vmem>>, %arg3: memref<128x128xf32, #tpu.memory_space<vmem>>, %arg4: memref<1x128xf32, #tpu.memory_space<vmem>>, %arg5: memref<1000x512xf32, #tpu.memory_space<vmem>>) attributes {dimension_semantics = [#tpu.dimension_semantics<arbitrary>], iteration_bounds = array<i64: 10>, scalar_prefetch = 0 : i64, scratch_operands = 0 : i64, tpu.core_type = #tpu.core_type<tc>, window_params = [{transform_indices = @transform_0, window_bounds = array<i64: 1000, 512>}, {transform_indices = @transform_1, window_bounds = array<i64: 4, 1000, 64>}, {pipeline_mode = #tpu.pipeline_mode<synchronous>, transform_indices = @transform_2, window_bounds = array<i64: 128, 128>}, {pipeline_mode = #tpu.pipeline_mode<synchronous>, transform_indices = @transform_3, window_bounds = array<i64: 1, 128>}, {transform_indices = @transform_4, window_bounds = array<i64: 1000, 512>}]} {
    %get3A = arith.constant 0 : index
    %get3A_0 = arith.constant 0 : index
    %get3A_1 = vector.load %arg3[%get3A, %get3A_0] : memref<128x128xf32, #tpu.memory_space<vmem>>, vector<128x64xf32>
    %get3A_2 = arith.constant 0 : index
    %get3A_3 = arith.constant 64 : index
    %get3A_4 = vector.load %arg3[%get3A_2, %get3A_3] : memref<128x128xf32, #tpu.memory_space<vmem>>, vector<128x64xf32>
    %get3A_5 = arith.constant 0 : index
    %get3A_6 = arith.constant 0 : index
    %get3A_7 = vector.load %arg4[%get3A_5, %get3A_6] : memref<1x128xf32, #tpu.memory_space<vmem>>, vector<1x128xf32>
    %get3A_8 = arith.constant 0 : index
    %get3A_9 = arith.constant 0 : index
    %get3A_10 = arith.constant 0 : index
    %get3A_11 = vector.load %arg2[%get3A_8, %get3A_9, %get3A_10] : memref<4x1000x64xf32, #tpu.memory_space<vmem>>, vector<1x1000x64xf32>
    %get3A_12 = vector.shape_cast %get3A_11 : vector<1x1000x64xf32> to vector<1000x64xf32>
    %bitcast_convert_type3A = tpu.bitcast %get3A_12 : vector<1000x64xf32> -> vector<1000x64xi32>
    %shift_left3A = arith.constant 16 : i32
    %shift_left3A_13 = vector.broadcast %shift_left3A : i32 to vector<1000x64xi32>
    %shift_left3A_14 = arith.shli %bitcast_convert_type3A, %shift_left3A_13 : vector<1000x64xi32>
    %bitcast_convert_type3A_15 = tpu.bitcast %shift_left3A_14 : vector<1000x64xi32> -> vector<1000x64xf32>
    %and3A = arith.constant -65536 : i32
    %and3A_16 = vector.broadcast %and3A : i32 to vector<1000x64xi32>
    %and3A_17 = arith.andi %bitcast_convert_type3A, %and3A_16 : vector<1000x64xi32>
    %bitcast_convert_type3A_18 = tpu.bitcast %and3A_17 : vector<1000x64xi32> -> vector<1000x64xf32>
    %dot_general3A = arith.constant dense<0.000000e+00> : vector<1000x128xf32>
    %dot_general3A_19 = tpu.matmul %bitcast_convert_type3A_15, %get3A_1, %dot_general3A {dimension_numbers = #tpu.dot_dimension_numbers<[1], [1], [0], [0], [0, 0, 1, 0], [], []>, transpose_lhs_hint = false} : vector<1000x64xf32>, vector<128x64xf32>, vector<1000x128xf32> -> vector<1000x128xf32>
    %dot_general3A_20 = arith.constant dense<0.000000e+00> : vector<1000x128xf32>
    %dot_general3A_21 = tpu.matmul %bitcast_convert_type3A_18, %get3A_4, %dot_general3A_20 {dimension_numbers = #tpu.dot_dimension_numbers<[1], [1], [0], [0], [0, 0, 1, 0], [], []>, transpose_lhs_hint = false} : vector<1000x64xf32>, vector<128x64xf32>, vector<1000x128xf32> -> vector<1000x128xf32>
    %add3A = arith.addf %dot_general3A_19, %dot_general3A_21 : vector<1000x128xf32>
    %get3A_22 = arith.constant 0 : index
    %get3A_23 = arith.constant 0 : index
    %get3A_24 = vector.load %arg1[%get3A_22, %get3A_23] : memref<1000x512xf32, #tpu.memory_space<vmem>>, vector<1000x128xf32>
    %mul3A = arith.constant 6.250000e-02 : f32
    %mul3A_25 = vector.broadcast %mul3A : f32 to vector<1000x128xf32>
    %mul3A_26 = arith.mulf %add3A, %mul3A_25 : vector<1000x128xf32>
    %add3A_27 = arith.addf %get3A_24, %mul3A_26 : vector<1000x128xf32>
    %add3A_28 = vector.broadcast %get3A_7 : vector<1x128xf32> to vector<1000x128xf32>
    %add3A_29 = arith.addf %add3A_27, %add3A_28 : vector<1000x128xf32>
    %swap3A = arith.constant 0 : index
    %swap3A_30 = arith.constant 0 : index
    %swap3A_31 = vector.load %arg5[%swap3A, %swap3A_30] : memref<1000x512xf32, #tpu.memory_space<vmem>>, vector<1000x128xf32>
    tpu.vector_store %arg5[%swap3A, %swap3A_30], %add3A_29 {strides = array<i32>} : memref<1000x512xf32, #tpu.memory_space<vmem>>, vector<1000x128xf32>,
    %get3A_32 = arith.constant 1 : index
    %get3A_33 = arith.constant 0 : index
    %get3A_34 = arith.constant 0 : index
    %get3A_35 = vector.load %arg2[%get3A_32, %get3A_33, %get3A_34] : memref<4x1000x64xf32, #tpu.memory_space<vmem>>, vector<1x1000x64xf32>
    %get3A_36 = vector.shape_cast %get3A_35 : vector<1x1000x64xf32> to vector<1000x64xf32>
    %bitcast_convert_type3A_37 = tpu.bitcast %get3A_36 : vector<1000x64xf32> -> vector<1000x64xi32>
    %shift_left3A_38 = arith.constant 16 : i32
    %shift_left3A_39 = vector.broadcast %shift_left3A_38 : i32 to vector<1000x64xi32>
    %shift_left3A_40 = arith.shli %bitcast_convert_type3A_37, %shift_left3A_39 : vector<1000x64xi32>
    %bitcast_convert_type3A_41 = tpu.bitcast %shift_left3A_40 : vector<1000x64xi32> -> vector<1000x64xf32>
    %and3A_42 = arith.constant -65536 : i32
    %and3A_43 = vector.broadcast %and3A_42 : i32 to vector<1000x64xi32>
    %and3A_44 = arith.andi %bitcast_convert_type3A_37, %and3A_43 : vector<1000x64xi32>
    %bitcast_convert_type3A_45 = tpu.bitcast %and3A_44 : vector<1000x64xi32> -> vector<1000x64xf32>
    %dot_general3A_46 = arith.constant dense<0.000000e+00> : vector<1000x128xf32>
    %dot_general3A_47 = tpu.matmul %bitcast_convert_type3A_41, %get3A_1, %dot_general3A_46 {dimension_numbers = #tpu.dot_dimension_numbers<[1], [1], [0], [0], [0, 0, 1, 0], [], []>, transpose_lhs_hint = false} : vector<1000x64xf32>, vector<128x64xf32>, vector<1000x128xf32> -> vector<1000x128xf32>
    %dot_general3A_48 = arith.constant dense<0.000000e+00> : vector<1000x128xf32>
    %dot_general3A_49 = tpu.matmul %bitcast_convert_type3A_45, %get3A_4, %dot_general3A_48 {dimension_numbers = #tpu.dot_dimension_numbers<[1], [1], [0], [0], [0, 0, 1, 0], [], []>, transpose_lhs_hint = false} : vector<1000x64xf32>, vector<128x64xf32>, vector<1000x128xf32> -> vector<1000x128xf32>
    %add3A_50 = arith.addf %dot_general3A_47, %dot_general3A_49 : vector<1000x128xf32>
    %get3A_51 = arith.constant 0 : index
    %get3A_52 = arith.constant 128 : index
    %get3A_53 = vector.load %arg1[%get3A_51, %get3A_52] : memref<1000x512xf32, #tpu.memory_space<vmem>>, vector<1000x128xf32>
    %mul3A_54 = arith.constant 6.250000e-02 : f32
    %mul3A_55 = vector.broadcast %mul3A_54 : f32 to vector<1000x128xf32>
    %mul3A_56 = arith.mulf %add3A_50, %mul3A_55 : vector<1000x128xf32>
    %add3A_57 = arith.addf %get3A_53, %mul3A_56 : vector<1000x128xf32>
    %add3A_58 = vector.broadcast %get3A_7 : vector<1x128xf32> to vector<1000x128xf32>
    %add3A_59 = arith.addf %add3A_57, %add3A_58 : vector<1000x128xf32>
    %swap3A_60 = arith.constant 0 : index
    %swap3A_61 = arith.constant 128 : index
    %swap3A_62 = vector.load %arg5[%swap3A_60, %swap3A_61] : memref<1000x512xf32, #tpu.memory_space<vmem>>, vector<1000x128xf32>
    tpu.vector_store %arg5[%swap3A_60, %swap3A_61], %add3A_59 {strides = array<i32>} : memref<1000x512xf32, #tpu.memory_space<vmem>>, vector<1000x128xf32>,
    %get3A_63 = arith.constant 2 : index
    %get3A_64 = arith.constant 0 : index
    %get3A_65 = arith.constant 0 : index
    %get3A_66 = vector.load %arg2[%get3A_63, %get3A_64, %get3A_65] : memref<4x1000x64xf32, #tpu.memory_space<vmem>>, vector<1x1000x64xf32>
    %get3A_67 = vector.shape_cast %get3A_66 : vector<1x1000x64xf32> to vector<1000x64xf32>
    %bitcast_convert_type3A_68 = tpu.bitcast %get3A_67 : vector<1000x64xf32> -> vector<1000x64xi32>
    %shift_left3A_69 = arith.constant 16 : i32
    %shift_left3A_70 = vector.broadcast %shift_left3A_69 : i32 to vector<1000x64xi32>
    %shift_left3A_71 = arith.shli %bitcast_convert_type3A_68, %shift_left3A_70 : vector<1000x64xi32>
    %bitcast_convert_type3A_72 = tpu.bitcast %shift_left3A_71 : vector<1000x64xi32> -> vector<1000x64xf32>
    %and3A_73 = arith.constant -65536 : i32
    %and3A_74 = vector.broadcast %and3A_73 : i32 to vector<1000x64xi32>
    %and3A_75 = arith.andi %bitcast_convert_type3A_68, %and3A_74 : vector<1000x64xi32>
    %bitcast_convert_type3A_76 = tpu.bitcast %and3A_75 : vector<1000x64xi32> -> vector<1000x64xf32>
    %dot_general3A_77 = arith.constant dense<0.000000e+00> : vector<1000x128xf32>
    %dot_general3A_78 = tpu.matmul %bitcast_convert_type3A_72, %get3A_1, %dot_general3A_77 {dimension_numbers = #tpu.dot_dimension_numbers<[1], [1], [0], [0], [0, 0, 1, 0], [], []>, transpose_lhs_hint = false} : vector<1000x64xf32>, vector<128x64xf32>, vector<1000x128xf32> -> vector<1000x128xf32>
    %dot_general3A_79 = arith.constant dense<0.000000e+00> : vector<1000x128xf32>
    %dot_general3A_80 = tpu.matmul %bitcast_convert_type3A_76, %get3A_4, %dot_general3A_79 {dimension_numbers = #tpu.dot_dimension_numbers<[1], [1], [0], [0], [0, 0, 1, 0], [], []>, transpose_lhs_hint = false} : vector<1000x64xf32>, vector<128x64xf32>, vector<1000x128xf32> -> vector<1000x128xf32>
    %add3A_81 = arith.addf %dot_general3A_78, %dot_general3A_80 : vector<1000x128xf32>
    %get3A_82 = arith.constant 0 : index
    %get3A_83 = arith.constant 256 : index
    %get3A_84 = vector.load %arg1[%get3A_82, %get3A_83] : memref<1000x512xf32, #tpu.memory_space<vmem>>, vector<1000x128xf32>
    %mul3A_85 = arith.constant 6.250000e-02 : f32
    %mul3A_86 = vector.broadcast %mul3A_85 : f32 to vector<1000x128xf32>
    %mul3A_87 = arith.mulf %add3A_81, %mul3A_86 : vector<1000x128xf32>
    %add3A_88 = arith.addf %get3A_84, %mul3A_87 : vector<1000x128xf32>
    %add3A_89 = vector.broadcast %get3A_7 : vector<1x128xf32> to vector<1000x128xf32>
    %add3A_90 = arith.addf %add3A_88, %add3A_89 : vector<1000x128xf32>
    %swap3A_91 = arith.constant 0 : index
    %swap3A_92 = arith.constant 256 : index
    %swap3A_93 = vector.load %arg5[%swap3A_91, %swap3A_92] : memref<1000x512xf32, #tpu.memory_space<vmem>>, vector<1000x128xf32>
    tpu.vector_store %arg5[%swap3A_91, %swap3A_92], %add3A_90 {strides = array<i32>} : memref<1000x512xf32, #tpu.memory_space<vmem>>, vector<1000x128xf32>,
    %get3A_94 = arith.constant 3 : index
    %get3A_95 = arith.constant 0 : index
    %get3A_96 = arith.constant 0 : index
    %get3A_97 = vector.load %arg2[%get3A_94, %get3A_95, %get3A_96] : memref<4x1000x64xf32, #tpu.memory_space<vmem>>, vector<1x1000x64xf32>
    %get3A_98 = vector.shape_cast %get3A_97 : vector<1x1000x64xf32> to vector<1000x64xf32>
    %bitcast_convert_type3A_99 = tpu.bitcast %get3A_98 : vector<1000x64xf32> -> vector<1000x64xi32>
    %shift_left3A_100 = arith.constant 16 : i32
    %shift_left3A_101 = vector.broadcast %shift_left3A_100 : i32 to vector<1000x64xi32>
    %shift_left3A_102 = arith.shli %bitcast_convert_type3A_99, %shift_left3A_101 : vector<1000x64xi32>
    %bitcast_convert_type3A_103 = tpu.bitcast %shift_left3A_102 : vector<1000x64xi32> -> vector<1000x64xf32>
    %and3A_104 = arith.constant -65536 : i32
    %and3A_105 = vector.broadcast %and3A_104 : i32 to vector<1000x64xi32>
    %and3A_106 = arith.andi %bitcast_convert_type3A_99, %and3A_105 : vector<1000x64xi32>
    %bitcast_convert_type3A_107 = tpu.bitcast %and3A_106 : vector<1000x64xi32> -> vector<1000x64xf32>
    %dot_general3A_108 = arith.constant dense<0.000000e+00> : vector<1000x128xf32>
    %dot_general3A_109 = tpu.matmul %bitcast_convert_type3A_103, %get3A_1, %dot_general3A_108 {dimension_numbers = #tpu.dot_dimension_numbers<[1], [1], [0], [0], [0, 0, 1, 0], [], []>, transpose_lhs_hint = false} : vector<1000x64xf32>, vector<128x64xf32>, vector<1000x128xf32> -> vector<1000x128xf32>
    %dot_general3A_110 = arith.constant dense<0.000000e+00> : vector<1000x128xf32>
    %dot_general3A_111 = tpu.matmul %bitcast_convert_type3A_107, %get3A_4, %dot_general3A_110 {dimension_numbers = #tpu.dot_dimension_numbers<[1], [1], [0], [0], [0, 0, 1, 0], [], []>, transpose_lhs_hint = false} : vector<1000x64xf32>, vector<128x64xf32>, vector<1000x128xf32> -> vector<1000x128xf32>
    %add3A_112 = arith.addf %dot_general3A_109, %dot_general3A_111 : vector<1000x128xf32>
    %get3A_113 = arith.constant 0 : index
    %get3A_114 = arith.constant 384 : index
    %get3A_115 = vector.load %arg1[%get3A_113, %get3A_114] : memref<1000x512xf32, #tpu.memory_space<vmem>>, vector<1000x128xf32>
    %mul3A_116 = arith.constant 6.250000e-02 : f32
    %mul3A_117 = vector.broadcast %mul3A_116 : f32 to vector<1000x128xf32>
    %mul3A_118 = arith.mulf %add3A_112, %mul3A_117 : vector<1000x128xf32>
    %add3A_119 = arith.addf %get3A_115, %mul3A_118 : vector<1000x128xf32>
    %add3A_120 = vector.broadcast %get3A_7 : vector<1x128xf32> to vector<1000x128xf32>
    %add3A_121 = arith.addf %add3A_119, %add3A_120 : vector<1000x128xf32>
    %swap3A_122 = arith.constant 0 : index
    %swap3A_123 = arith.constant 384 : index
    %swap3A_124 = vector.load %arg5[%swap3A_122, %swap3A_123] : memref<1000x512xf32, #tpu.memory_space<vmem>>, vector<1000x128xf32>
    tpu.vector_store %arg5[%swap3A_122, %swap3A_123], %add3A_121 {strides = array<i32>} : memref<1000x512xf32, #tpu.memory_space<vmem>>, vector<1000x128xf32>,
    return
  }
  func.func @transform_0(%arg0: i32) -> (i32, i32) {
    %c0_i32 = arith.constant 0 : i32
    %c0_i32_0 = arith.constant 0 : i32
    return %arg0, %c0_i32 : i32, i32
  }
  func.func @transform_1(%arg0: i32) -> (i32, i32, i32) {
    %c0_i32 = arith.constant 0 : i32
    %c0_i32_0 = arith.constant 0 : i32
    %c0_i32_1 = arith.constant 0 : i32
    return %c0_i32, %arg0, %c0_i32_0 : i32, i32, i32
  }
  func.func @transform_2(%arg0: i32) -> (i32, i32) {
    %c0_i32 = arith.constant 0 : i32
    %c0_i32_0 = arith.constant 0 : i32
    %c0_i32_1 = arith.constant 0 : i32
    return %c0_i32, %c0_i32_0 : i32, i32
  }
  func.func @transform_3(%arg0: i32) -> (i32, i32) {
    %c0_i32 = arith.constant 0 : i32
    %c0_i32_0 = arith.constant 0 : i32
    %c0_i32_1 = arith.constant 0 : i32
    return %c0_i32, %c0_i32_0 : i32, i32
  }
  func.func @transform_4(%arg0: i32) -> (i32, i32) {
    %c0_i32 = arith.constant 0 : i32
    %c0_i32_0 = arith.constant 0 : i32
    return %arg0, %c0_i32 : i32, i32
  }
}

</mosaic_0001>

<sc_bundles>
// kernel: kernel.5.cloned.1.call-start
scs
__scs_entry_jumppad:
0x0: {  	(pc) =	sbr.rel $0x88, $3  }
0x1: {  	(tag) =	ssettag $0x0;
	lr =	simm.s32 $0x1  }
0x2: {  	[smem:$0x3F9D] =	sst lr;
	_ =	strace $0xD0000000  }
0x3: {  	_ = 	snop  }
0x4: {  	_ = 	snop  }
0x5: {  	_ = 	snop  }
0x6: {  	_ = 	snop  }
0x7: {  	_ = 	snop  }
__scs_overlays_trampoline_lowered:
0x8: {  	[smem:$0x3FAC] =	sst s0  }
0x9: {  	[smem:$0x3FAD] =	sst s1  }
0xa: {  	[smem:$0x3FAE] =	sst s2  }
0xb: {  	[smem:$0x3FAF] =	sst s3  }
0xc: {  	[smem:$0x3FB0] =	sst s4  }
0xd: {  	[smem:$0x3FB1] =	sst s5  }
0xe: {  	[smem:$0x3FB2] =	sst s6  }
0xf: {  	[smem:$0x3FB3] =	sst s7  }
0x10: {  	[smem:$0x3FB4] =	sst s8  }
0x11: {  	[smem:$0x3FB5] =	sst s9;
	s0 =	simm.s32 @!p0 $0x0  }
0x12: {  	s1 =	sld [smem:$0x3F9B];
	s0 =	simm.s32 @p0 $0x1  }
0x13: {  	[smem:$0x3FB6] =	sst s0;
	s0 =	simm.s32 @!p1 $0x0  }
0x14: {  	s2 =	sld [smem:$0x3F9A];
	s0 =	simm.s32 @p1 $0x1  }
0x15: {  	[smem:$0x3FB7] =	sst s0;
	s0 =	simm.s32 @!p2 $0x0  }
0x16: {  	s3 =	sld [smem:$0x3FDB];
	s0 =	simm.s32 @p2 $0x1  }
0x17: {  	s4 =	simm.s32 $0x1BF5;
	[smem:$0x3FB9] =	sst s0  }
0x18: {  	s0 =	sld [smem:$0x3F9C];
	_ =	swait.ge [sflag:s4], $0x0  }
0x19: {  	s7 =	sld [smem:$0x3F9D]  }
0x1a: {  	s8 =	sadd.s32 $0xFFFFE003, lr  }
0x1b: {  	s9 =	sadd.s32 $0xFFFFFEF7, lr;
	s5 =	simm.s32 $0xFFFFFFFF;
	p2 =	slt.u32 s8, $0xFFFFF086  }
0x1c: {  	p1 =	slt.u32 s9, $0xF7A;
	s5 =	simm.s32 @!p2 $0x0  }
0x1d: {  	s5 =	simm.s32 @p1 $0x1;
	p0 =	seq.s32 s7, s2  }
0x1e: {  	s7 =	smul.u32 @!p0 $0xF7A, s2;
	p2 =	seq.s32 @!p0 s5, $0x0  }
0x1f: {  	s9 =	smul.u32 $0xF7A, s1;
	s8 =	simm.s32 @!p0 $0x1BF5;
	p2 =	por !p2, p0  }
0x20: {  	[sflag:s8] =	ssyncset.s32 @!p0 $0xFFFFF086;
	s6 =	sadd.s32 @!p0 s3, s7;
	s7 =	simm.s32 @!p0 $0x108  }
0x21: {  	s3 =	sadd.s32 s3, s9;
	s6 =	sadd.s32 @!p0 $0x88, s6;
	s7 =	simm.s32 @p2 $0x1082  }
0x22: {  	[simem:s7], [sflag:s8] =	dma.local @!p0 [hbm:s6], $0xF7A  }
0x23: {  	s9 =	sor.u32 $0xD0000000, s2;
	s6 =	simm.s32 $0x108;
	_ =	swait.ge @!p0 [sflag:s8], $0x0  }
0x24: {  	s3 =	sadd.s32 $0x88, s3;
	s6 =	simm.s32 @!p1 $0x1082;
	[sflag:s4] =	ssyncset.s32 $0xFFFFF086  }
0x25: {  	[simem:s6], [sflag:s4] =	dma.local [hbm:s3], $0xF7A  }
0x26: {  	[smem:$0x3F9D] =	sst s1;
	(tag) =	ssettag s2;
	_ =	strace s9  }
0x27: {  	s1 =	sld [smem:$0x3FAD]  }
0x28: {  	s2 =	sld [smem:$0x3FAE]  }
0x29: {  	s4 =	sld [smem:$0x3FB0]  }
0x2a: {  	p0 =	seq.s32 s5, $0x0;
	s5 =	sld [smem:$0x3FB1]  }
0x2b: {  	s6 =	sld [smem:$0x3FB2]  }
0x2c: {  	s7 =	sld [smem:$0x3FB3]  }
0x2d: {  	s3 =	simm.s32 $0x108;
	s8 =	sld [smem:$0x3FB4]  }
0x2e: {  	s3 =	simm.s32 @!p0 $0x1082;
	s9 =	sld [smem:$0x3FB5]  }
0x2f: {  	lr =	sadd.s32 s0, s3;
	s0 =	sld [smem:$0x3FAC]  }
0x30: {  	s3 =	sld [smem:$0x3FAF]  }
0x31: {  	[smem:$0x3FB8] =	sst s10  }
0x32: {  	s10 =	sld [smem:$0x3FB6];
	_ =	sdelay $0x3  }
0x33: {  	p0 =	seq.s32 s10, $0x1;
	s10 =	sld [smem:$0x3FB8];
	_ =	sdelay $0x3  }
0x34: {  	[smem:$0x3FB8] =	sst s10  }
0x35: {  	s10 =	sld [smem:$0x3FB7];
	_ =	sdelay $0x3  }
0x36: {  	p1 =	seq.s32 s10, $0x1;
	s10 =	sld [smem:$0x3FB8];
	_ =	sdelay $0x3  }
0x37: {  	[smem:$0x3FB8] =	sst s10  }
0x38: {  	s10 =	sld [smem:$0x3FB9]  }
0x39: {  	_ = 	snop;
	(pc) =	sbr.ind lr, $3  }
0x3a: {  	_ = 	snop  }
0x3b: {  	_ = 	snop  }
0x3c: {  	p2 =	seq.s32 s10, $0x1;
	s10 =	sld [smem:$0x3FB8]  }
0x3d: {  	_ =	shalt  }
0x3e: {  	_ =	shalt  }
0x3f: {  	_ =	shalt  }
0x40: {  	_ =	shalt  }
0x41: {  	_ =	shalt  }
0x42: {  	_ =	shalt  }
0x43: {  	_ =	shalt  }
0x44: {  	_ =	shalt  }
0x45: {  	_ =	shalt  }
0x46: {  	_ =	shalt  }
0x47: {  	_ =	shalt  }
0x48: {  	_ =	shalt  }
0x49: {  	_ =	shalt  }
0x4a: {  	_ =	shalt  }
0x4b: {  	_ =	shalt  }
0x4c: {  	_ =	shalt  }
0x4d: {  	_ =	shalt  }
0x4e: {  	_ =	shalt  }
0x4f: {  	_ =	shalt  }
0x50: {  	_ =	shalt  }
0x51: {  	_ =	shalt  }
0x52: {  	_ =	shalt  }
0x53: {  	_ =	shalt  }
0x54: {  	_ =	shalt  }
0x55: {  	_ =	shalt  }
0x56: {  	_ =	shalt  }
0x57: {  	_ =	shalt  }
0x58: {  	_ =	shalt  }
0x59: {  	_ =	shalt  }
0x5a: {  	_ =	shalt  }
0x5b: {  	_ =	shalt  }
0x5c: {  	_ =	shalt  }
0x5d: {  	_ =	shalt  }
0x5e: {  	_ =	shalt  }
0x5f: {  	_ =	shalt  }
0x60: {  	_ =	shalt  }
0x61: {  	_ =	shalt  }
0x62: {  	_ =	shalt  }
0x63: {  	_ =	shalt  }
0x64: {  	_ =	shalt  }
0x65: {  	_ =	shalt  }
0x66: {  	_ =	shalt  }
0x67: {  	_ =	shalt  }
0x68: {  	_ =	shalt  }
0x69: {  	_ =	shalt  }
0x6a: {  	_ =	shalt  }
0x6b: {  	_ =	shalt  }
0x6c: {  	_ =	shalt  }
0x6d: {  	_ =	shalt  }
0x6e: {  	_ =	shalt  }
0x6f: {  	_ =	shalt  }
0x70: {  	_ =	shalt  }
0x71: {  	_ =	shalt  }
0x72: {  	_ =	shalt  }
0x73: {  	_ =	shalt  }
0x74: {  	_ =	shalt  }
0x75: {  	_ =	shalt  }
0x76: {  	_ =	shalt  }
0x77: {  	_ =	shalt  }
0x78: {  	_ =	shalt  }
0x79: {  	_ =	shalt  }
0x7a: {  	_ =	shalt  }
0x7b: {  	_ =	shalt  }
0x7c: {  	_ =	shalt  }
0x7d: {  	_ =	shalt  }
0x7e: {  	_ =	shalt  }
0x7f: {  	_ =	shalt  }
0x80: {  	_ =	shalt  }
0x81: {  	_ =	shalt  }
0x82: {  	_ =	shalt  }
0x83: {  	_ =	shalt  }
0x84: {  	_ =	shalt  }
0x85: {  	_ =	shalt  }
0x86: {  	_ =	shalt  }
0x87: {  	_ =	shalt  }
.Lfunc_end0:
.L_simem_size_0:
called_computation_lowered:
.L_overlay_start_0:
0x88: {  	s2 =	sld [smem:$0x3FD9]  }
0x89: {  	s3 =	sld [smem:$0x3FFE];
	_ =	sdelay $0x1  }
0x8a: {  	s1 =	srdreg.scid  }
0x8b: {  	s0 =	sand.u32 $0x1, s1  }
0x8c: {  	s16 =	sshll.u32 s0, $0xA;
	s2 =	sadd.s32 s3, s2  }
0x8d: {  	s2 =	sadd.s32 s2, s16  }
0x8e: {  	[smem:$0x3FC4] =	sst s2  }
0x8f: {  	_ = 	snop  }
0x90: {  	(tm) =	ssettm $0x1  }
0x91: {  	s17 =	sld [smem:$0x3FFB];
	_ =	sdelay $0x3  }
0x92: {  	_ =	strace s17  }
0x93: {  	s2 =	sld [smem:$0x3FFC];
	_ =	sdelay $0x3  }
0x94: {  	_ =	strace s2  }
0x95: {  	s2 =	sld [smem:$0x3FFD];
	_ =	sdelay $0x3  }
0x96: {  	_ =	strace s2  }
0x97: {  	_ =	strace $0x8FFFFFFF  }
0x98: {  	s18 =	sld [smem:$0x3FDB];
	_ =	sdelay $0x1  }
0x99: {  	s19 =	simm.s32 $_scs_section_size  }
0x9a: {  	s4 =	simm.s32 $_size__tile_overlayer_lowered;
	s5 =	simm.s32 $_tile_overlayer_lowered  }
0x9b: {  	s22 =	simm.s32 $0x1BFF;
	s21 =	sshll.u32 s5, $0x1;
	s2 =	sadd.s32 s19, s18  }
0x9c: {  	s6 =	simm.s32 $0x0;
	s20 =	sshll.u32 s4, $0x1;
	s4 =	sadd.s32 s21, s2  }
0x9d: {  	[timem:s6], [sflag:s22] =	dma.local [hbm:s4], s20  }
0x9e: {  	_ =	swait.ge [sflag:s22], s20  }
0x9f: {  	s3 =	ssub.s32 $0x0, s20;
	[sflag:s22] =	ssyncset.done $0x0  }
0xa0: {  	[sflag:s22] =	ssyncadd.s32 s3;
	_ =	sdelay $0x1  }
0xa1: {  	s23 =	simm.s32 $0x1B8B  }
0xa2: {  	_ =	swait.ge [sflag:s23], $0x1  }
0xa3: {  	[sflag:s23] =	ssyncset.done $0x0  }
0xa4: {  	s25 =	simm.s32 $0x1B8E;
	s24 =	sld [smem:$0x3FFE];
	[sflag:s23] =	ssyncadd.s32 $0xFFFFFFFF  }
0xa5: {  	s26 =	simm.s32 $execute0_lowered;
	[smem:$0x3FD2] =	sst s25  }
0xa6: {  	s4 =	sshll.u32 s26, $0x1;
	_ =	strace $0x80000046;
	[dreg:$0x1] =	wrdreg $0xFFFFFFFF  }
0xa7: {  	s28 =	simm.s32 $_size_execute0_lowered;
	s2 =	sadd.s32 s2, s4;
	[dreg:$0x0] =	wrdreg $0x0  }
0xa8: {  	s4 =	sshll.u32 s28, $0x1;
	[dreg:$0x2] =	wrdreg s2  }
0xa9: {  	[dreg:$0x3] =	wrdreg s4  }
0xaa: {  	[dreg:$0x4] =	wrdreg $0xC0  }
0xab: {  	_ =	task [dreg:s6], $0x5FFFF  }
0xac: {  	[dreg:$0x1] =	wrdreg $0xFFFFFFFF  }
0xad: {  	[dreg:$0x0] =	wrdreg $0x60  }
0xae: {  	[dreg:$0x2] =	wrdreg s24  }
0xaf: {  	[dreg:$0x3] =	wrdreg $0x9  }
0xb0: {  	_ =	task.clear_ibuf [dreg:s6], $0x4FFFF;
	_ =	strace $0x90000046  }
0xb1: {  	s29 =	simm.s32 $0x9;
	_ =	strace $0x80000048  }
0xb2: {  	_ =	swait.ge [sflag:s29], $0x1  }
0xb3: {  	[sflag:s29] =	ssyncadd.s32 $0xFFFFFFFF  }
0xb4: {  	_ =	strace $0x90000048  }
0xb5: {  	_ =	sfence  }
0xb6: {  	s30 =	sld [smem:$0x0];
	_ =	sdelay $0x2  }
0xb7: {  	s31 =	sshll.u32 s1, $0xD;
	s1 =	sshrl.u32 s1, $0x2  }
0xb8: {  	s3 =	sand.u32 $0x4000, s31;
	s1 =	sadd.s32 s1, s30  }
0xb9: {  	s0 =	sor.u32 s3, s0;
	s1 =	sshll.u32 s1, $0x11  }
0xba: {  	s0 =	sor.u32 s1, s0  }
0xbb: {  	s0 =	sadd.s32 $0x8F2B, s0  }
0xbc: {  	[sflag:s0] =	ssyncadd.remote.s32 $0x1  }
0xbd: {  	_ =	sfence.sel $0xFFFF  }
0xbe: {  	[dreg:$0x0] =	wrdreg $0xFFFFFFFF;
	(pc) =	sbr.abs _section_cstart, $3  }
0xbf: {  	[dreg:$0x1] =	wrdreg $0xFFFFFFFF  }
0xc0: {  	_ =	task.clear_ibuf [dreg:s6], $0x2FFFF;
	_ =	strace $0x9FFFFFFF  }
0xc1: {  	(tm) =	ssettm $0x7FFFFFFF  }
tec
execute0_lowered:
.L_overlay_start_1:
0x0: {  	(tag) =	ssettag $0x1  }
0x1: {  	s0 =	rddreg [dreg:$0x0];
	s2 =	simm.s32 $0x0;
	s1 =	srdreg.scid  }
0x2: {  	s3 =	stileid.u32;
	s10 =	simm.s32 $0x80;
	s12 =	simm.s32 $0x7  }
0x3: {  	s13 =	simm.s32 $0x5000;
	s14 =	simm.s32 $0x7000;
	s15 =	simm.s32 $0x100  }
0x4: {  	s16 =	simm.s32 $0x9000;
	s17 =	simm.s32 $0x1;
	s18 =	simm.s32 $0xB000  }
0x5: {  	s19 =	simm.s32 $0x2;
	s20 =	simm.s32 $0xB200;
	s21 =	simm.s32 $0x3  }
0x6: {  	s22 =	simm.s32 $0xB400;
	s23 =	simm.s32 $0x4;
	s24 =	simm.s32 $0x5  }
0x7: {  	s25 =	simm.s32 $0x6;
	s26 =	simm.s32 $0x0;
	[smem:$0x7FF] =	sst s2  }
0x8: {  	s1 =	sand.u32 $0x1, s1;
	s3 =	sshll.u32 s3, $0x1;
	s4 =	sadd.s32 $0x15C00, s0  }
0x9: {  	_ =	strace $0x80000047;
	s3 =	sor.u32 s1, s3;
	s1 =	ssub.s32 $0x2, s1  }
0xa: {  	s5 =	sshll.u32 s3, $0x4;
	s6 =	sshrl.u32 s1, $0x1;
	s8 =	sor.u32 $0x40, s3  }
0xb: {  	s7 =	sadd.s32 s5, s0;
	s5 =	sadd.s32 $0x63E00, s0;
	s31 =	ssub.s32 s1, s6  }
0xc: {  	s6 =	sadd.s32 $0x1C00, s7;
	s7 =	sor.u32 $0x20, s3;
	s9 =	smax.u32 s31, $0x1  }
.LBB2_1:
0xd: {  	s0 =	simm.s32 $0x1000  }
0xe: {  	[tilespmem:s2], [sflag:$0x7] =	stream.strided.gather [hbm4b:s6+s10], $0x5000, s0, s10, $0x38;
	[tilespmem:$0xB600] =	vst v63  }
0xf: {  	_ =	swait.ge [sflag:s12], $0x5000  }
0x10: {  	[sflag:s12] =	ssyncset.done $0x0  }
0x11: {  	[sflag:s12] =	ssyncadd.s32 $0xFFFFB000  }
0x12: {  	[tilespmem:s13], [sflag:$0x1] =	stream.indirect.gather [hbm4b:s4+s10], $0x40, s2, s10, $0xb8;
	[tilespmem:$0xB600] =	vst v63  }
0x13: {  	_ = 	snop  }
0x14: {  	[tilespmem:s14], [sflag:$0x2] =	stream.indirect.gather [hbm4b:s4+s10], $0x40, s10, s10, $0xb8;
	[tilespmem:$0xB600] =	vst v63  }
0x15: {  	s28 =	simm.s32 $0x0  }
0x16: {  	[tilespmem:s16], [sflag:$0x3] =	stream.indirect.gather [hbm4b:s4+s10], $0x40, s15, s10, $0xb8;
	[tilespmem:$0xB600] =	vst v63  }
.LBB2_2:
0x17: {  	_ =	swait.ge [sflag:s17], $0x2000  }
0x18: {  	p0 =	seq.s32 s28, $0x0;
	[sflag:s17] =	ssyncset.done $0x0  }
0x19: {  	s0 =	simm.s32 @!p0 $0x4;
	[sflag:s17] =	ssyncadd.s32 $0xFFFFE000  }
0x1a: {  	_ =	swait.ge @!p0 [sflag:s0], $0x200  }
0x1b: {  	[sflag:s0] =	ssyncset.done @!p0 $0x0  }
0x1c: {  	s30 =	simm.s32 $0x5200;
	[sflag:s0] =	ssyncadd.s32 @!p0 $0xFFFFFE00  }
0x1d: {  	v0 =	vld [tilespmem:s30+$0x80]  }
0x1e: {  	v1 =	vld [tilespmem:s30+$0x70]  }
0x1f: {  	v2 =	vld [tilespmem:s30+$0x40]  }
0x20: {  	v3 =	vld [tilespmem:s30+$0x30]  }
0x21: {  	v4 =	vld [tilespmem:s30+$0x0]  }
0x22: {  	v5 =	vld [tilespmem:s30+$0xFFFFFFF0]  }
0x23: {  	v6 =	vld [tilespmem:s30+$0xFFFFFFA0]  }
0x24: {  	v7 =	vld [tilespmem:s30+$0xFFFFFF90]  }
0x25: {  	v8 =	vld [tilespmem:s30+$0xFFFFFF80]  }
0x26: {  	v9 =	vld [tilespmem:s30+$0xFFFFFF70]  }
0x27: {  	v10 =	vld [tilespmem:s30+$0xFFFFFF60]  }
0x28: {  	v11 =	vld [tilespmem:s30+$0xFFFFFF50]  }
0x29: {  	v12 =	vld [tilespmem:s30+$0xFFFFFF40]  }
0x2a: {  	v13 =	vld [tilespmem:s30+$0xFFFFFF30]  }
0x2b: {  	v14 =	vld [tilespmem:s30+$0xFFFFFF20]  }
0x2c: {  	v15 =	vld [tilespmem:s30+$0xFFFFFF00]  }
0x2d: {  	v16 =	vld [tilespmem:s30+$0x140]  }
0x2e: {  	v17 =	vld [tilespmem:s30+$0xFFFFFEE0]  }
0x2f: {  	v18 =	vld [tilespmem:s30+$0xFFFFFEF0]  }
0x30: {  	v19 =	vld [tilespmem:s30+$0xFFFFFEC0]  }
0x31: {  	v20 =	vld [tilespmem:s30+$0xFFFFFEB0]  }
0x32: {  	v21 =	vld [tilespmem:s30+$0x100]  }
0x33: {  	v22 =	vld [tilespmem:s30+$0xFFFFFE50]  }
0x34: {  	v23 =	vld [tilespmem:s30+$0xFFFFFE80]  }
0x35: {  	v24 =	vld [tilespmem:s30+$0xFFFFFE00]  }
0x36: {  	v25 =	vld [tilespmem:s30+$0xFFFFFE70]  }
0x37: {  	v26 =	vld [tilespmem:s30+$0xFFFFFE60]  }
0x38: {  	v27 =	vld [tilespmem:s30+$0xC0]  }
0x39: {  	v28 =	vld [tilespmem:s30+$0xFFFFFE40]  }
0x3a: {  	v29 =	vld [tilespmem:s30+$0xFFFFFFB0]  }
0x3b: {  	v30 =	vld [tilespmem:s30+$0xFFFFFFC0]  }
0x3c: {  	v31 =	vld [tilespmem:s30+$0xFFFFFE30]  }
0x3d: {  	v32 =	vld [tilespmem:s30+$0xB0]  }
0x3e: {  	v33 =	vld [tilespmem:s30+$0xF0]  }
0x3f: {  	v34 =	vld [tilespmem:s30+$0xFFFFFE20]  }
0x40: {  	v35 =	vld [tilespmem:s30+$0xFFFFFE10]  }
0x41: {  	v60 =	vld [tilespmem:s30+$0xFFFFFEA0];
	v24 =	vadd.bf16 v28, v24  }
0x42: {  	v36 =	vld [tilespmem:s30+$0xFFFFFE90];
	v61 =	vadd.bf16 v25, v31  }
0x43: {  	v62 =	vld [tilespmem:s30+$0x170];
	v23 =	vadd.bf16 v23, v24  }
0x44: {  	v63 =	vld [tilespmem:s30+$0xFFFFFED0];
	v26 =	vadd.bf16 v26, v34;
	v20 =	vadd.bf16 v20, v61  }
0x45: {  	v37 =	vld [tilespmem:s30+$0xFFFFFF10];
	v22 =	vadd.bf16 v22, v35;
	v19 =	vadd.bf16 v19, v23  }
0x46: {  	v38 =	vld [tilespmem:s30+$0x1F0];
	v35 =	vadd.bf16 v60, v26;
	v18 =	vadd.bf16 v18, v20  }
0x47: {  	v40 =	vld [tilespmem:s30+$0x50];
	v39 =	vadd.bf16 v36, v22;
	v15 =	vadd.bf16 v15, v19  }
0x48: {  	v41 =	vld [tilespmem:s30+$0x20];
	v17 =	vadd.bf16 v17, v35;
	v13 =	vadd.bf16 v13, v18  }
0x49: {  	v43 =	vld [tilespmem:s30+$0x10];
	v42 =	vadd.bf16 v63, v39;
	v12 =	vadd.bf16 v12, v15  }
0x4a: {  	v44 =	vld [tilespmem:s30+$0xFFFFFFE0];
	v14 =	vadd.bf16 v14, v17;
	v9 =	vadd.bf16 v9, v13  }
0x4b: {  	v46 =	vld [tilespmem:s30+$0xFFFFFFD0];
	v45 =	vadd.bf16 v37, v42;
	v8 =	vadd.bf16 v8, v12  }
0x4c: {  	v47 =	vld [tilespmem:s30+$0x90];
	v10 =	vadd.bf16 v10, v14;
	v9 =	vadd.bf16 v29, v9  }
0x4d: {  	v48 =	vld [tilespmem:s30+$0x60];
	v11 =	vadd.bf16 v11, v45;
	v8 =	vadd.bf16 v30, v8  }
0x4e: {  	v49 =	vld [tilespmem:s30+$0x130];
	v6 =	vadd.bf16 v6, v10;
	v5 =	vadd.bf16 v5, v9  }
0x4f: {  	v50 =	vld [tilespmem:s30+$0x180];
	v7 =	vadd.bf16 v7, v11;
	v4 =	vadd.bf16 v4, v8  }
0x50: {  	v51 =	vld [tilespmem:s30+$0xA0];
	v6 =	vadd.bf16 v44, v6;
	v3 =	vadd.bf16 v3, v5  }
0x51: {  	v53 =	vld [tilespmem:s30+$0x1C0];
	v52 =	vadd.bf16 v46, v7;
	v2 =	vadd.bf16 v2, v4  }
0x52: {  	v55 =	vld [tilespmem:s30+$0xD0];
	v6 =	vadd.bf16 v41, v6;
	v1 =	vadd.bf16 v1, v3  }
0x53: {  	v3 =	vadd.bf16 v43, v52;
	v0 =	vadd.bf16 v0, v2;
	v2 =	vld [tilespmem:s30+$0xE0]  }
0x54: {  	v56 =	vld [tilespmem:s30+$0x120];
	v54 =	vadd.bf16 v48, v6  }
0x55: {  	v57 =	vld [tilespmem:s30+$0x110];
	v1 =	vadd.bf16 v32, v1;
	v3 =	vadd.bf16 v40, v3  }
0x56: {  	v58 =	vld [tilespmem:s30+$0x160];
	v4 =	vadd.bf16 v51, v54;
	v0 =	vadd.bf16 v27, v0  }
0x57: {  	v59 =	vld [tilespmem:s30+$0x150];
	v1 =	vadd.bf16 v33, v1;
	v3 =	vadd.bf16 v47, v3  }
0x58: {  	v34 =	vld [tilespmem:s30+$0x1B0];
	v0 =	vadd.bf16 v21, v0;
	v2 =	vadd.bf16 v2, v4  }
0x59: {  	v60 =	vld [tilespmem:s30+$0x1A0];
	v1 =	vadd.bf16 v49, v1;
	v3 =	vadd.bf16 v55, v3  }
0x5a: {  	v61 =	vld [tilespmem:s30+$0x190];
	v0 =	vadd.bf16 v16, v0;
	v2 =	vadd.bf16 v56, v2  }
0x5b: {  	v1 =	vadd.bf16 v62, v1;
	v62 =	vld [tilespmem:s30+$0x1E0];
	v3 =	vadd.bf16 v57, v3  }
0x5c: {  	v0 =	vadd.bf16 v50, v0;
	v2 =	vadd.bf16 v58, v2  }
0x5d: {  	v63 =	vld [tilespmem:s30+$0x1D0];
	v1 =	vadd.bf16 v34, v1;
	v3 =	vadd.bf16 v59, v3  }
0x5e: {  	s29 =	smul.u32 $0x60, s28;
	v0 =	vadd.bf16 v53, v0;
	v2 =	vadd.bf16 v60, v2  }
0x5f: {  	s1 =	simm.s32 $0x0;
	v1 =	vadd.bf16 v38, v1  }
0x60: {  	s31 =	sor.u32 s3, s29;
	[tilespmem:s1+$0xB000] =	vst v0;
	v0 =	vadd.bf16 v61, v3;
	v2 =	vadd.bf16 v62, v2  }
0x61: {  	p1 =	slt.s32 s31, $0x1387;
	[tilespmem:s1+$0xB030] =	vst v1  }
0x62: {  	s31 =	simm.s32 @!p1 $0x1387;
	s0 =	simm.s32 $0x100;
	v0 =	vadd.bf16 v63, v0;
	[tilespmem:s1+$0xB020] =	vst v2  }
.LBB2_3:
0x63: {  	p1 =	sne.s32 s0, $0x700  }
0x64: {  	[tilespmem:s1+$0xB010] =	vst v0;
	s30 =	sadd.s32 $0x400, s30;
	s1 =	smov.u32 s0;
	s0 =	sadd.s32 $0x100, s0  }
0x65: {  	v1 =	vld [tilespmem:s30+$0x80]  }
0x66: {  	v0 =	vld [tilespmem:s30+$0x70]  }
0x67: {  	v2 =	vld [tilespmem:s30+$0x40]  }
0x68: {  	v3 =	vld [tilespmem:s30+$0x30]  }
0x69: {  	v4 =	vld [tilespmem:s30+$0x0]  }
0x6a: {  	v5 =	vld [tilespmem:s30+$0xFFFFFFF0]  }
0x6b: {  	v6 =	vld [tilespmem:s30+$0xFFFFFFA0]  }
0x6c: {  	v7 =	vld [tilespmem:s30+$0xFFFFFF90]  }
0x6d: {  	v8 =	vld [tilespmem:s30+$0xFFFFFF80]  }
0x6e: {  	v9 =	vld [tilespmem:s30+$0xFFFFFF70]  }
0x6f: {  	v10 =	vld [tilespmem:s30+$0xFFFFFF60]  }
0x70: {  	v11 =	vld [tilespmem:s30+$0xFFFFFF50]  }
0x71: {  	v12 =	vld [tilespmem:s30+$0xFFFFFF40]  }
0x72: {  	v13 =	vld [tilespmem:s30+$0xFFFFFF30]  }
0x73: {  	v14 =	vld [tilespmem:s30+$0xFFFFFF20]  }
0x74: {  	v15 =	vld [tilespmem:s30+$0xFFFFFF00]  }
0x75: {  	v16 =	vld [tilespmem:s30+$0x140]  }
0x76: {  	v17 =	vld [tilespmem:s30+$0xFFFFFEE0]  }
0x77: {  	v18 =	vld [tilespmem:s30+$0xFFFFFEF0]  }
0x78: {  	v19 =	vld [tilespmem:s30+$0xFFFFFEC0]  }
0x79: {  	v20 =	vld [tilespmem:s30+$0xFFFFFEB0]  }
0x7a: {  	v21 =	vld [tilespmem:s30+$0x100]  }
0x7b: {  	v22 =	vld [tilespmem:s30+$0xFFFFFE50]  }
0x7c: {  	v23 =	vld [tilespmem:s30+$0xFFFFFE80]  }
0x7d: {  	v24 =	vld [tilespmem:s30+$0xFFFFFE00]  }
0x7e: {  	v25 =	vld [tilespmem:s30+$0xFFFFFE70]  }
0x7f: {  	v26 =	vld [tilespmem:s30+$0xFFFFFE60]  }
0x80: {  	v27 =	vld [tilespmem:s30+$0xC0]  }
0x81: {  	v28 =	vld [tilespmem:s30+$0xFFFFFE40]  }
0x82: {  	v29 =	vld [tilespmem:s30+$0xFFFFFFB0]  }
0x83: {  	v30 =	vld [tilespmem:s30+$0xFFFFFFC0]  }
0x84: {  	v31 =	vld [tilespmem:s30+$0xFFFFFE30]  }
0x85: {  	v32 =	vld [tilespmem:s30+$0xB0]  }
0x86: {  	v24 =	vadd.bf16 v28, v24;
	v28 =	vld [tilespmem:s30+$0xF0]  }
0x87: {  	v33 =	vld [tilespmem:s30+$0xFFFFFE20]  }
0x88: {  	v34 =	vld [tilespmem:s30+$0xFFFFFE10];
	v23 =	vadd.bf16 v23, v24  }
0x89: {  	v24 =	vadd.bf16 v25, v31;
	v25 =	vld [tilespmem:s30+$0xFFFFFEA0]  }
0x8a: {  	v31 =	vld [tilespmem:s30+$0xFFFFFE90];
	v19 =	vadd.bf16 v19, v23  }
0x8b: {  	v20 =	vadd.bf16 v20, v24;
	v23 =	vld [tilespmem:s30+$0x170]  }
0x8c: {  	v24 =	vadd.bf16 v26, v33;
	v26 =	vld [tilespmem:s30+$0xFFFFFED0]  }
0x8d: {  	v15 =	vadd.bf16 v15, v19;
	v22 =	vadd.bf16 v22, v34;
	v19 =	vld [tilespmem:s30+$0x1B0]  }
0x8e: {  	v18 =	vadd.bf16 v18, v20;
	v24 =	vadd.bf16 v25, v24;
	v20 =	vld [tilespmem:s30+$0xFFFFFF10]  }
0x8f: {  	v12 =	vadd.bf16 v12, v15;
	v22 =	vadd.bf16 v31, v22;
	v15 =	vld [tilespmem:s30+$0x1F0]  }
0x90: {  	v13 =	vadd.bf16 v13, v18;
	v17 =	vadd.bf16 v17, v24;
	v18 =	vld [tilespmem:s30+$0x50]  }
0x91: {  	v8 =	vadd.bf16 v8, v12;
	v22 =	vadd.bf16 v26, v22;
	v12 =	vld [tilespmem:s30+$0x20]  }
0x92: {  	v9 =	vadd.bf16 v9, v13;
	v14 =	vadd.bf16 v14, v17;
	v13 =	vld [tilespmem:s30+$0x10]  }
0x93: {  	v8 =	vadd.bf16 v30, v8;
	v17 =	vadd.bf16 v20, v22;
	v20 =	vld [tilespmem:s30+$0xFFFFFFE0]  }
0x94: {  	v9 =	vadd.bf16 v29, v9;
	v10 =	vadd.bf16 v10, v14;
	v14 =	vld [tilespmem:s30+$0xFFFFFFD0]  }
0x95: {  	v4 =	vadd.bf16 v4, v8;
	v11 =	vadd.bf16 v11, v17;
	v8 =	vld [tilespmem:s30+$0x90]  }
0x96: {  	v5 =	vadd.bf16 v5, v9;
	v6 =	vadd.bf16 v6, v10;
	v9 =	vld [tilespmem:s30+$0x60]  }
0x97: {  	v2 =	vadd.bf16 v2, v4;
	v7 =	vadd.bf16 v7, v11;
	v4 =	vld [tilespmem:s30+$0x130]  }
0x98: {  	v3 =	vadd.bf16 v3, v5;
	v6 =	vadd.bf16 v20, v6;
	v5 =	vld [tilespmem:s30+$0x180]  }
0x99: {  	v1 =	vadd.bf16 v1, v2;
	v7 =	vadd.bf16 v14, v7;
	v2 =	vld [tilespmem:s30+$0xA0]  }
0x9a: {  	v0 =	vadd.bf16 v0, v3;
	v6 =	vadd.bf16 v12, v6;
	v3 =	vld [tilespmem:s30+$0x1C0]  }
0x9b: {  	v1 =	vadd.bf16 v27, v1;
	v7 =	vadd.bf16 v13, v7;
	v10 =	vld [tilespmem:s30+$0xE0]  }
0x9c: {  	v0 =	vadd.bf16 v32, v0;
	v6 =	vadd.bf16 v9, v6;
	v9 =	vld [tilespmem:s30+$0xD0]  }
0x9d: {  	v1 =	vadd.bf16 v21, v1;
	v7 =	vadd.bf16 v18, v7;
	v11 =	vld [tilespmem:s30+$0x120]  }
0x9e: {  	v0 =	vadd.bf16 v28, v0;
	v2 =	vadd.bf16 v2, v6;
	v6 =	vld [tilespmem:s30+$0x110]  }
0x9f: {  	v1 =	vadd.bf16 v16, v1;
	v7 =	vadd.bf16 v8, v7;
	v8 =	vld [tilespmem:s30+$0x160]  }
0xa0: {  	v0 =	vadd.bf16 v4, v0;
	v2 =	vadd.bf16 v10, v2;
	v4 =	vld [tilespmem:s30+$0x150]  }
0xa1: {  	v1 =	vadd.bf16 v5, v1;
	v7 =	vadd.bf16 v9, v7;
	v5 =	vld [tilespmem:s30+$0x1A0]  }
0xa2: {  	v0 =	vadd.bf16 v23, v0;
	v2 =	vadd.bf16 v11, v2;
	v9 =	vld [tilespmem:s30+$0x190]  }
0xa3: {  	v1 =	vadd.bf16 v3, v1;
	v6 =	vadd.bf16 v6, v7;
	v3 =	vld [tilespmem:s30+$0x1E0]  }
0xa4: {  	s1 =	sshra.s32 s1, $0x2;
	v0 =	vadd.bf16 v19, v0;
	v2 =	vadd.bf16 v8, v2;
	v7 =	vld [tilespmem:s30+$0x1D0]  }
0xa5: {  	v4 =	vadd.bf16 v4, v6;
	[tilespmem:s1+$0xB000] =	vst v1  }
.Ltmp0:
0xa6: {  	v0 =	vadd.bf16 v15, v0;
	v1 =	vadd.bf16 v5, v2;
	(pc) =	sbr.rel @p1 .LBB2_3-.Ltmp0, $4  }
0xa7: {  	v2 =	vadd.bf16 v9, v4  }
0xa8: {  	v1 =	vadd.bf16 v3, v1;
	[tilespmem:s1+$0xB030] =	vst v0  }
0xa9: {  	v0 =	vadd.bf16 v7, v2  }
0xaa: {  	[tilespmem:s1+$0xB020] =	vst v1  }
0xab: {  	p1 =	seq.s32 s28, $0x34  }
0xac: {  	s0 =	smul.u32 @!p1 $0x600, s28;
	_ =	sdelay $0x1  }
0xad: {  	s30 =	sshra.s32 @!p1 s0, $0x2  }
0xae: {  	[tilespmem:s1+$0xB010] =	vst v0;
	s1 =	simm.s32 @!p1 $0x80;
	s11 =	simm.s32 @!p1 $0x5000;
	s0 =	sadd.s32 @!p1 $0x180, s30  }
0xaf: {  	[tilespmem:s11], [sflag:$0x1] =	stream.indirect.gather @!p1 [hbm4b:s4+s1], $0x40, s0, s1, $0xb8;
	[tilespmem:$0xB600] =	vst v63  }
0xb0: {  	s11 =	sshll.u32 s31, $0x6  }
0xb1: {  	s0 =	sadd.s32 s5, s11  }
0xb2: {  	[hbm4b:s0+s2] =	stream.linear.scatter [tilespmem:s18], [sflag:$0x4], $0x200, $0x38;
	[tilespmem:$0xB600] =	vst v63  }
0xb3: {  	_ =	swait.ge [sflag:s19], $0x2000  }
0xb4: {  	[sflag:s19] =	ssyncset.done $0x0  }
0xb5: {  	s0 =	simm.s32 @!p0 $0x5;
	[sflag:s19] =	ssyncadd.s32 $0xFFFFE000  }
0xb6: {  	_ =	swait.ge @!p0 [sflag:s0], $0x200  }
0xb7: {  	[sflag:s0] =	ssyncset.done @!p0 $0x0  }
0xb8: {  	s31 =	simm.s32 $0x7200;
	[sflag:s0] =	ssyncadd.s32 @!p0 $0xFFFFFE00  }
0xb9: {  	v0 =	vld [tilespmem:s31+$0x80]  }
0xba: {  	v1 =	vld [tilespmem:s31+$0x70]  }
0xbb: {  	v2 =	vld [tilespmem:s31+$0x40]  }
0xbc: {  	v3 =	vld [tilespmem:s31+$0x30]  }
0xbd: {  	v4 =	vld [tilespmem:s31+$0x0]  }
0xbe: {  	v5 =	vld [tilespmem:s31+$0xFFFFFFF0]  }
0xbf: {  	v6 =	vld [tilespmem:s31+$0xFFFFFFA0]  }
0xc0: {  	v7 =	vld [tilespmem:s31+$0xFFFFFF90]  }
0xc1: {  	v8 =	vld [tilespmem:s31+$0xFFFFFF80]  }
0xc2: {  	v9 =	vld [tilespmem:s31+$0xFFFFFF70]  }
0xc3: {  	v10 =	vld [tilespmem:s31+$0xFFFFFF60]  }
0xc4: {  	v11 =	vld [tilespmem:s31+$0xFFFFFF50]  }
0xc5: {  	v12 =	vld [tilespmem:s31+$0xFFFFFF40]  }
0xc6: {  	v13 =	vld [tilespmem:s31+$0xFFFFFF30]  }
0xc7: {  	v14 =	vld [tilespmem:s31+$0xFFFFFF20]  }
0xc8: {  	v15 =	vld [tilespmem:s31+$0xFFFFFF00]  }
0xc9: {  	v16 =	vld [tilespmem:s31+$0x140]  }
0xca: {  	v17 =	vld [tilespmem:s31+$0xFFFFFEE0]  }
0xcb: {  	v18 =	vld [tilespmem:s31+$0xFFFFFEF0]  }
0xcc: {  	v19 =	vld [tilespmem:s31+$0xFFFFFEC0]  }
0xcd: {  	v20 =	vld [tilespmem:s31+$0xFFFFFEB0]  }
0xce: {  	v21 =	vld [tilespmem:s31+$0x100]  }
0xcf: {  	v22 =	vld [tilespmem:s31+$0xFFFFFE50]  }
0xd0: {  	v23 =	vld [tilespmem:s31+$0xFFFFFE80]  }
0xd1: {  	v24 =	vld [tilespmem:s31+$0xFFFFFE00]  }
0xd2: {  	v25 =	vld [tilespmem:s31+$0xFFFFFE70]  }
0xd3: {  	v26 =	vld [tilespmem:s31+$0xFFFFFE60]  }
0xd4: {  	v27 =	vld [tilespmem:s31+$0xC0]  }
0xd5: {  	v28 =	vld [tilespmem:s31+$0xFFFFFE40]  }
0xd6: {  	v29 =	vld [tilespmem:s31+$0xFFFFFFB0]  }
0xd7: {  	v30 =	vld [tilespmem:s31+$0xFFFFFFC0]  }
0xd8: {  	v31 =	vld [tilespmem:s31+$0xFFFFFE30]  }
0xd9: {  	v32 =	vld [tilespmem:s31+$0xB0]  }
0xda: {  	v33 =	vld [tilespmem:s31+$0xF0]  }
0xdb: {  	v34 =	vld [tilespmem:s31+$0xFFFFFE20]  }
0xdc: {  	v35 =	vld [tilespmem:s31+$0xFFFFFE10]  }
0xdd: {  	v60 =	vld [tilespmem:s31+$0xFFFFFEA0];
	v24 =	vadd.bf16 v28, v24  }
0xde: {  	v36 =	vld [tilespmem:s31+$0xFFFFFE90];
	v61 =	vadd.bf16 v25, v31  }
0xdf: {  	v62 =	vld [tilespmem:s31+$0x170];
	v23 =	vadd.bf16 v23, v24  }
0xe0: {  	v63 =	vld [tilespmem:s31+$0xFFFFFED0];
	v26 =	vadd.bf16 v26, v34;
	v20 =	vadd.bf16 v20, v61  }
0xe1: {  	v37 =	vld [tilespmem:s31+$0xFFFFFF10];
	v22 =	vadd.bf16 v22, v35;
	v19 =	vadd.bf16 v19, v23  }
0xe2: {  	v38 =	vld [tilespmem:s31+$0x1F0];
	v35 =	vadd.bf16 v60, v26;
	v18 =	vadd.bf16 v18, v20  }
0xe3: {  	v40 =	vld [tilespmem:s31+$0x50];
	v39 =	vadd.bf16 v36, v22;
	v15 =	vadd.bf16 v15, v19  }
0xe4: {  	v41 =	vld [tilespmem:s31+$0x20];
	v17 =	vadd.bf16 v17, v35;
	v13 =	vadd.bf16 v13, v18  }
0xe5: {  	v43 =	vld [tilespmem:s31+$0x10];
	v42 =	vadd.bf16 v63, v39;
	v12 =	vadd.bf16 v12, v15  }
0xe6: {  	v44 =	vld [tilespmem:s31+$0xFFFFFFE0];
	v14 =	vadd.bf16 v14, v17;
	v9 =	vadd.bf16 v9, v13  }
0xe7: {  	v46 =	vld [tilespmem:s31+$0xFFFFFFD0];
	v45 =	vadd.bf16 v37, v42;
	v8 =	vadd.bf16 v8, v12  }
0xe8: {  	v47 =	vld [tilespmem:s31+$0x90];
	v10 =	vadd.bf16 v10, v14;
	v9 =	vadd.bf16 v29, v9  }
0xe9: {  	v48 =	vld [tilespmem:s31+$0x60];
	v11 =	vadd.bf16 v11, v45;
	v8 =	vadd.bf16 v30, v8  }
0xea: {  	v49 =	vld [tilespmem:s31+$0x130];
	v6 =	vadd.bf16 v6, v10;
	v5 =	vadd.bf16 v5, v9  }
0xeb: {  	v50 =	vld [tilespmem:s31+$0x180];
	v7 =	vadd.bf16 v7, v11;
	v4 =	vadd.bf16 v4, v8  }
0xec: {  	v51 =	vld [tilespmem:s31+$0xA0];
	v6 =	vadd.bf16 v44, v6;
	v3 =	vadd.bf16 v3, v5  }
0xed: {  	v53 =	vld [tilespmem:s31+$0x1C0];
	v52 =	vadd.bf16 v46, v7;
	v2 =	vadd.bf16 v2, v4  }
0xee: {  	v55 =	vld [tilespmem:s31+$0xD0];
	v6 =	vadd.bf16 v41, v6;
	v1 =	vadd.bf16 v1, v3  }
0xef: {  	v3 =	vadd.bf16 v43, v52;
	v0 =	vadd.bf16 v0, v2;
	v2 =	vld [tilespmem:s31+$0xE0]  }
0xf0: {  	v56 =	vld [tilespmem:s31+$0x120];
	v54 =	vadd.bf16 v48, v6  }
0xf1: {  	v57 =	vld [tilespmem:s31+$0x110];
	v1 =	vadd.bf16 v32, v1;
	v3 =	vadd.bf16 v40, v3  }
0xf2: {  	v58 =	vld [tilespmem:s31+$0x160];
	v4 =	vadd.bf16 v51, v54;
	v0 =	vadd.bf16 v27, v0  }
0xf3: {  	v59 =	vld [tilespmem:s31+$0x150];
	v1 =	vadd.bf16 v33, v1;
	v3 =	vadd.bf16 v47, v3  }
0xf4: {  	v34 =	vld [tilespmem:s31+$0x1B0];
	v0 =	vadd.bf16 v21, v0;
	v2 =	vadd.bf16 v2, v4  }
0xf5: {  	v60 =	vld [tilespmem:s31+$0x1A0];
	v1 =	vadd.bf16 v49, v1;
	v3 =	vadd.bf16 v55, v3  }
0xf6: {  	v61 =	vld [tilespmem:s31+$0x190];
	v0 =	vadd.bf16 v16, v0;
	v2 =	vadd.bf16 v56, v2  }
0xf7: {  	v1 =	vadd.bf16 v62, v1;
	v62 =	vld [tilespmem:s31+$0x1E0];
	v3 =	vadd.bf16 v57, v3  }
0xf8: {  	v0 =	vadd.bf16 v50, v0;
	v2 =	vadd.bf16 v58, v2  }
0xf9: {  	v63 =	vld [tilespmem:s31+$0x1D0];
	v1 =	vadd.bf16 v34, v1;
	v3 =	vadd.bf16 v59, v3  }
0xfa: {  	v0 =	vadd.bf16 v53, v0;
	v2 =	vadd.bf16 v60, v2  }
0xfb: {  	s11 =	simm.s32 $0x0;
	v1 =	vadd.bf16 v38, v1  }
0xfc: {  	s0 =	sadd.s32 s7, s29;
	[tilespmem:s11+$0xB200] =	vst v0;
	v0 =	vadd.bf16 v61, v3;
	v2 =	vadd.bf16 v62, v2  }
0xfd: {  	p2 =	slt.s32 s0, $0x1387;
	[tilespmem:s11+$0xB230] =	vst v1  }
0xfe: {  	s1 =	simm.s32 $0x100;
	s0 =	simm.s32 @!p2 $0x1387;
	v0 =	vadd.bf16 v63, v0;
	[tilespmem:s11+$0xB220] =	vst v2  }
.LBB2_5:
0xff: {  	p2 =	sne.s32 s1, $0x700  }
0x100: {  	[tilespmem:s11+$0xB210] =	vst v0;
	s31 =	sadd.s32 $0x400, s31;
	s11 =	smov.u32 s1;
	s1 =	sadd.s32 $0x100, s1  }
0x101: {  	v1 =	vld [tilespmem:s31+$0x80]  }
0x102: {  	v0 =	vld [tilespmem:s31+$0x70]  }
0x103: {  	v2 =	vld [tilespmem:s31+$0x40]  }
0x104: {  	v3 =	vld [tilespmem:s31+$0x30]  }
0x105: {  	v4 =	vld [tilespmem:s31+$0x0]  }
0x106: {  	v5 =	vld [tilespmem:s31+$0xFFFFFFF0]  }
0x107: {  	v6 =	vld [tilespmem:s31+$0xFFFFFFA0]  }
0x108: {  	v7 =	vld [tilespmem:s31+$0xFFFFFF90]  }
0x109: {  	v8 =	vld [tilespmem:s31+$0xFFFFFF80]  }
0x10a: {  	v9 =	vld [tilespmem:s31+$0xFFFFFF70]  }
0x10b: {  	v10 =	vld [tilespmem:s31+$0xFFFFFF60]  }
0x10c: {  	v11 =	vld [tilespmem:s31+$0xFFFFFF50]  }
0x10d: {  	v12 =	vld [tilespmem:s31+$0xFFFFFF40]  }
0x10e: {  	v13 =	vld [tilespmem:s31+$0xFFFFFF30]  }
0x10f: {  	v14 =	vld [tilespmem:s31+$0xFFFFFF20]  }
0x110: {  	v15 =	vld [tilespmem:s31+$0xFFFFFF00]  }
0x111: {  	v16 =	vld [tilespmem:s31+$0x140]  }
0x112: {  	v17 =	vld [tilespmem:s31+$0xFFFFFEE0]  }
0x113: {  	v18 =	vld [tilespmem:s31+$0xFFFFFEF0]  }
0x114: {  	v19 =	vld [tilespmem:s31+$0xFFFFFEC0]  }
0x115: {  	v20 =	vld [tilespmem:s31+$0xFFFFFEB0]  }
0x116: {  	v21 =	vld [tilespmem:s31+$0x100]  }
0x117: {  	v22 =	vld [tilespmem:s31+$0xFFFFFE50]  }
0x118: {  	v23 =	vld [tilespmem:s31+$0xFFFFFE80]  }
0x119: {  	v24 =	vld [tilespmem:s31+$0xFFFFFE00]  }
0x11a: {  	v25 =	vld [tilespmem:s31+$0xFFFFFE70]  }
0x11b: {  	v26 =	vld [tilespmem:s31+$0xFFFFFE60]  }
0x11c: {  	v27 =	vld [tilespmem:s31+$0xC0]  }
0x11d: {  	v28 =	vld [tilespmem:s31+$0xFFFFFE40]  }
0x11e: {  	v29 =	vld [tilespmem:s31+$0xFFFFFFB0]  }
0x11f: {  	v30 =	vld [tilespmem:s31+$0xFFFFFFC0]  }
0x120: {  	v31 =	vld [tilespmem:s31+$0xFFFFFE30]  }
0x121: {  	v32 =	vld [tilespmem:s31+$0xB0]  }
0x122: {  	v24 =	vadd.bf16 v28, v24;
	v28 =	vld [tilespmem:s31+$0xF0]  }
0x123: {  	v33 =	vld [tilespmem:s31+$0xFFFFFE20]  }
0x124: {  	v34 =	vld [tilespmem:s31+$0xFFFFFE10];
	v23 =	vadd.bf16 v23, v24  }
0x125: {  	v24 =	vadd.bf16 v25, v31;
	v25 =	vld [tilespmem:s31+$0xFFFFFEA0]  }
0x126: {  	v31 =	vld [tilespmem:s31+$0xFFFFFE90];
	v19 =	vadd.bf16 v19, v23  }
0x127: {  	v20 =	vadd.bf16 v20, v24;
	v23 =	vld [tilespmem:s31+$0x170]  }
0x128: {  	v24 =	vadd.bf16 v26, v33;
	v26 =	vld [tilespmem:s31+$0xFFFFFED0]  }
0x129: {  	v15 =	vadd.bf16 v15, v19;
	v22 =	vadd.bf16 v22, v34;
	v19 =	vld [tilespmem:s31+$0x1B0]  }
0x12a: {  	v18 =	vadd.bf16 v18, v20;
	v24 =	vadd.bf16 v25, v24;
	v20 =	vld [tilespmem:s31+$0xFFFFFF10]  }
0x12b: {  	v12 =	vadd.bf16 v12, v15;
	v22 =	vadd.bf16 v31, v22;
	v15 =	vld [tilespmem:s31+$0x1F0]  }
0x12c: {  	v13 =	vadd.bf16 v13, v18;
	v17 =	vadd.bf16 v17, v24;
	v18 =	vld [tilespmem:s31+$0x50]  }
0x12d: {  	v8 =	vadd.bf16 v8, v12;
	v22 =	vadd.bf16 v26, v22;
	v12 =	vld [tilespmem:s31+$0x20]  }
0x12e: {  	v9 =	vadd.bf16 v9, v13;
	v14 =	vadd.bf16 v14, v17;
	v13 =	vld [tilespmem:s31+$0x10]  }
0x12f: {  	v8 =	vadd.bf16 v30, v8;
	v17 =	vadd.bf16 v20, v22;
	v20 =	vld [tilespmem:s31+$0xFFFFFFE0]  }
0x130: {  	v9 =	vadd.bf16 v29, v9;
	v10 =	vadd.bf16 v10, v14;
	v14 =	vld [tilespmem:s31+$0xFFFFFFD0]  }
0x131: {  	v4 =	vadd.bf16 v4, v8;
	v11 =	vadd.bf16 v11, v17;
	v8 =	vld [tilespmem:s31+$0x90]  }
0x132: {  	v5 =	vadd.bf16 v5, v9;
	v6 =	vadd.bf16 v6, v10;
	v9 =	vld [tilespmem:s31+$0x60]  }
0x133: {  	v2 =	vadd.bf16 v2, v4;
	v7 =	vadd.bf16 v7, v11;
	v4 =	vld [tilespmem:s31+$0x130]  }
0x134: {  	v3 =	vadd.bf16 v3, v5;
	v6 =	vadd.bf16 v20, v6;
	v5 =	vld [tilespmem:s31+$0x180]  }
0x135: {  	v1 =	vadd.bf16 v1, v2;
	v7 =	vadd.bf16 v14, v7;
	v2 =	vld [tilespmem:s31+$0xA0]  }
0x136: {  	v0 =	vadd.bf16 v0, v3;
	v6 =	vadd.bf16 v12, v6;
	v3 =	vld [tilespmem:s31+$0x1C0]  }
0x137: {  	v1 =	vadd.bf16 v27, v1;
	v7 =	vadd.bf16 v13, v7;
	v10 =	vld [tilespmem:s31+$0xE0]  }
0x138: {  	v0 =	vadd.bf16 v32, v0;
	v6 =	vadd.bf16 v9, v6;
	v9 =	vld [tilespmem:s31+$0xD0]  }
0x139: {  	v1 =	vadd.bf16 v21, v1;
	v7 =	vadd.bf16 v18, v7;
	v11 =	vld [tilespmem:s31+$0x120]  }
0x13a: {  	v0 =	vadd.bf16 v28, v0;
	v2 =	vadd.bf16 v2, v6;
	v6 =	vld [tilespmem:s31+$0x110]  }
0x13b: {  	v1 =	vadd.bf16 v16, v1;
	v7 =	vadd.bf16 v8, v7;
	v8 =	vld [tilespmem:s31+$0x160]  }
0x13c: {  	v0 =	vadd.bf16 v4, v0;
	v2 =	vadd.bf16 v10, v2;
	v4 =	vld [tilespmem:s31+$0x150]  }
0x13d: {  	v1 =	vadd.bf16 v5, v1;
	v7 =	vadd.bf16 v9, v7;
	v5 =	vld [tilespmem:s31+$0x1A0]  }
0x13e: {  	v0 =	vadd.bf16 v23, v0;
	v2 =	vadd.bf16 v11, v2;
	v9 =	vld [tilespmem:s31+$0x190]  }
0x13f: {  	v1 =	vadd.bf16 v3, v1;
	v6 =	vadd.bf16 v6, v7;
	v3 =	vld [tilespmem:s31+$0x1E0]  }
0x140: {  	s11 =	sshra.s32 s11, $0x2;
	v0 =	vadd.bf16 v19, v0;
	v2 =	vadd.bf16 v8, v2;
	v7 =	vld [tilespmem:s31+$0x1D0]  }
0x141: {  	v4 =	vadd.bf16 v4, v6;
	[tilespmem:s11+$0xB200] =	vst v1  }
.Ltmp1:
0x142: {  	v0 =	vadd.bf16 v15, v0;
	v1 =	vadd.bf16 v5, v2;
	(pc) =	sbr.rel @p2 .LBB2_5-.Ltmp1, $4  }
0x143: {  	v2 =	vadd.bf16 v9, v4  }
0x144: {  	v1 =	vadd.bf16 v3, v1;
	[tilespmem:s11+$0xB230] =	vst v0  }
0x145: {  	v0 =	vadd.bf16 v7, v2  }
0x146: {  	[tilespmem:s11+$0xB220] =	vst v1  }
0x147: {  	s1 =	sadd.s32 @!p1 $0x200, s30  }
0x148: {  	[tilespmem:s11+$0xB210] =	vst v0;
	s11 =	simm.s32 @!p1 $0x80;
	s31 =	simm.s32 @!p1 $0x7000;
	s0 =	sshll.u32 s0, $0x6  }
0x149: {  	[tilespmem:s31], [sflag:$0x2] =	stream.indirect.gather @!p1 [hbm4b:s4+s11], $0x40, s1, s11, $0xb8;
	[tilespmem:$0xB600] =	vst v63  }
0x14a: {  	s0 =	sadd.s32 s5, s0  }
0x14b: {  	[hbm4b:s0+s2] =	stream.linear.scatter [tilespmem:s20], [sflag:$0x5], $0x200, $0x38;
	[tilespmem:$0xB600] =	vst v63  }
0x14c: {  	_ =	swait.ge [sflag:s21], $0x2000  }
0x14d: {  	[sflag:s21] =	ssyncset.done $0x0  }
0x14e: {  	s0 =	simm.s32 @!p0 $0x6;
	[sflag:s21] =	ssyncadd.s32 $0xFFFFE000  }
0x14f: {  	_ =	swait.ge @!p0 [sflag:s0], $0x200  }
0x150: {  	[sflag:s0] =	ssyncset.done @!p0 $0x0  }
0x151: {  	s31 =	simm.s32 $0x9200;
	[sflag:s0] =	ssyncadd.s32 @!p0 $0xFFFFFE00  }
0x152: {  	v0 =	vld [tilespmem:s31+$0x80]  }
0x153: {  	v1 =	vld [tilespmem:s31+$0x70]  }
0x154: {  	v2 =	vld [tilespmem:s31+$0x40]  }
0x155: {  	v3 =	vld [tilespmem:s31+$0x30]  }
0x156: {  	v4 =	vld [tilespmem:s31+$0x0]  }
0x157: {  	v5 =	vld [tilespmem:s31+$0xFFFFFFF0]  }
0x158: {  	v6 =	vld [tilespmem:s31+$0xFFFFFFA0]  }
0x159: {  	v7 =	vld [tilespmem:s31+$0xFFFFFF90]  }
0x15a: {  	v8 =	vld [tilespmem:s31+$0xFFFFFF80]  }
0x15b: {  	v9 =	vld [tilespmem:s31+$0xFFFFFF70]  }
0x15c: {  	v10 =	vld [tilespmem:s31+$0xFFFFFF60]  }
0x15d: {  	v11 =	vld [tilespmem:s31+$0xFFFFFF50]  }
0x15e: {  	v12 =	vld [tilespmem:s31+$0xFFFFFF40]  }
0x15f: {  	v13 =	vld [tilespmem:s31+$0xFFFFFF30]  }
0x160: {  	v14 =	vld [tilespmem:s31+$0xFFFFFF20]  }
0x161: {  	v15 =	vld [tilespmem:s31+$0xFFFFFF00]  }
0x162: {  	v16 =	vld [tilespmem:s31+$0x140]  }
0x163: {  	v17 =	vld [tilespmem:s31+$0xFFFFFEE0]  }
0x164: {  	v18 =	vld [tilespmem:s31+$0xFFFFFEF0]  }
0x165: {  	v19 =	vld [tilespmem:s31+$0xFFFFFEC0]  }
0x166: {  	v20 =	vld [tilespmem:s31+$0xFFFFFEB0]  }
0x167: {  	v21 =	vld [tilespmem:s31+$0x100]  }
0x168: {  	v22 =	vld [tilespmem:s31+$0xFFFFFE50]  }
0x169: {  	v23 =	vld [tilespmem:s31+$0xFFFFFE80]  }
0x16a: {  	v24 =	vld [tilespmem:s31+$0xFFFFFE00]  }
0x16b: {  	v25 =	vld [tilespmem:s31+$0xFFFFFE70]  }
0x16c: {  	v26 =	vld [tilespmem:s31+$0xFFFFFE60]  }
0x16d: {  	v27 =	vld [tilespmem:s31+$0xC0]  }
0x16e: {  	v28 =	vld [tilespmem:s31+$0xFFFFFE40]  }
0x16f: {  	v29 =	vld [tilespmem:s31+$0xFFFFFFB0]  }
0x170: {  	v30 =	vld [tilespmem:s31+$0xFFFFFFC0]  }
0x171: {  	v31 =	vld [tilespmem:s31+$0xFFFFFE30]  }
0x172: {  	v32 =	vld [tilespmem:s31+$0xB0]  }
0x173: {  	v33 =	vld [tilespmem:s31+$0xF0]  }
0x174: {  	v34 =	vld [tilespmem:s31+$0xFFFFFE20]  }
0x175: {  	v35 =	vld [tilespmem:s31+$0xFFFFFE10]  }
0x176: {  	v60 =	vld [tilespmem:s31+$0xFFFFFEA0];
	v24 =	vadd.bf16 v28, v24  }
0x177: {  	v36 =	vld [tilespmem:s31+$0xFFFFFE90];
	v61 =	vadd.bf16 v25, v31  }
0x178: {  	v62 =	vld [tilespmem:s31+$0x170];
	v23 =	vadd.bf16 v23, v24  }
0x179: {  	v63 =	vld [tilespmem:s31+$0xFFFFFED0];
	v26 =	vadd.bf16 v26, v34;
	v20 =	vadd.bf16 v20, v61  }
0x17a: {  	v37 =	vld [tilespmem:s31+$0xFFFFFF10];
	v22 =	vadd.bf16 v22, v35;
	v19 =	vadd.bf16 v19, v23  }
0x17b: {  	v38 =	vld [tilespmem:s31+$0x1F0];
	v35 =	vadd.bf16 v60, v26;
	v18 =	vadd.bf16 v18, v20  }
0x17c: {  	v40 =	vld [tilespmem:s31+$0x50];
	v39 =	vadd.bf16 v36, v22;
	v15 =	vadd.bf16 v15, v19  }
0x17d: {  	v41 =	vld [tilespmem:s31+$0x20];
	v17 =	vadd.bf16 v17, v35;
	v13 =	vadd.bf16 v13, v18  }
0x17e: {  	v43 =	vld [tilespmem:s31+$0x10];
	v42 =	vadd.bf16 v63, v39;
	v12 =	vadd.bf16 v12, v15  }
0x17f: {  	v44 =	vld [tilespmem:s31+$0xFFFFFFE0];
	v14 =	vadd.bf16 v14, v17;
	v9 =	vadd.bf16 v9, v13  }
0x180: {  	v46 =	vld [tilespmem:s31+$0xFFFFFFD0];
	v45 =	vadd.bf16 v37, v42;
	v8 =	vadd.bf16 v8, v12  }
0x181: {  	v47 =	vld [tilespmem:s31+$0x90];
	v10 =	vadd.bf16 v10, v14;
	v9 =	vadd.bf16 v29, v9  }
0x182: {  	v48 =	vld [tilespmem:s31+$0x60];
	v11 =	vadd.bf16 v11, v45;
	v8 =	vadd.bf16 v30, v8  }
0x183: {  	v49 =	vld [tilespmem:s31+$0x130];
	v6 =	vadd.bf16 v6, v10;
	v5 =	vadd.bf16 v5, v9  }
0x184: {  	v50 =	vld [tilespmem:s31+$0x180];
	v7 =	vadd.bf16 v7, v11;
	v4 =	vadd.bf16 v4, v8  }
0x185: {  	v51 =	vld [tilespmem:s31+$0xA0];
	v6 =	vadd.bf16 v44, v6;
	v3 =	vadd.bf16 v3, v5  }
0x186: {  	v53 =	vld [tilespmem:s31+$0x1C0];
	v52 =	vadd.bf16 v46, v7;
	v2 =	vadd.bf16 v2, v4  }
0x187: {  	v55 =	vld [tilespmem:s31+$0xD0];
	v6 =	vadd.bf16 v41, v6;
	v1 =	vadd.bf16 v1, v3  }
0x188: {  	v3 =	vadd.bf16 v43, v52;
	v0 =	vadd.bf16 v0, v2;
	v2 =	vld [tilespmem:s31+$0xE0]  }
0x189: {  	v56 =	vld [tilespmem:s31+$0x120];
	v54 =	vadd.bf16 v48, v6  }
0x18a: {  	v57 =	vld [tilespmem:s31+$0x110];
	v1 =	vadd.bf16 v32, v1;
	v3 =	vadd.bf16 v40, v3  }
0x18b: {  	v58 =	vld [tilespmem:s31+$0x160];
	v4 =	vadd.bf16 v51, v54;
	v0 =	vadd.bf16 v27, v0  }
0x18c: {  	v59 =	vld [tilespmem:s31+$0x150];
	v1 =	vadd.bf16 v33, v1;
	v3 =	vadd.bf16 v47, v3  }
0x18d: {  	v34 =	vld [tilespmem:s31+$0x1B0];
	v0 =	vadd.bf16 v21, v0;
	v2 =	vadd.bf16 v2, v4  }
0x18e: {  	v60 =	vld [tilespmem:s31+$0x1A0];
	v1 =	vadd.bf16 v49, v1;
	v3 =	vadd.bf16 v55, v3  }
0x18f: {  	v61 =	vld [tilespmem:s31+$0x190];
	v0 =	vadd.bf16 v16, v0;
	v2 =	vadd.bf16 v56, v2  }
0x190: {  	v1 =	vadd.bf16 v62, v1;
	v62 =	vld [tilespmem:s31+$0x1E0];
	v3 =	vadd.bf16 v57, v3  }
0x191: {  	v0 =	vadd.bf16 v50, v0;
	v2 =	vadd.bf16 v58, v2  }
0x192: {  	v63 =	vld [tilespmem:s31+$0x1D0];
	v1 =	vadd.bf16 v34, v1;
	v3 =	vadd.bf16 v59, v3  }
0x193: {  	v0 =	vadd.bf16 v53, v0;
	v2 =	vadd.bf16 v60, v2  }
0x194: {  	s11 =	simm.s32 $0x0;
	v1 =	vadd.bf16 v38, v1  }
0x195: {  	s0 =	sadd.s32 s8, s29;
	[tilespmem:s11+$0xB400] =	vst v0;
	v0 =	vadd.bf16 v61, v3;
	v2 =	vadd.bf16 v62, v2  }
0x196: {  	p0 =	slt.s32 s0, $0x1387;
	[tilespmem:s11+$0xB430] =	vst v1  }
0x197: {  	s1 =	simm.s32 $0x100;
	s0 =	simm.s32 @!p0 $0x1387;
	v0 =	vadd.bf16 v63, v0;
	[tilespmem:s11+$0xB420] =	vst v2  }
.LBB2_7:
0x198: {  	p0 =	sne.s32 s1, $0x700  }
0x199: {  	[tilespmem:s11+$0xB410] =	vst v0;
	s31 =	sadd.s32 $0x400, s31;
	s11 =	smov.u32 s1;
	s1 =	sadd.s32 $0x100, s1  }
0x19a: {  	v1 =	vld [tilespmem:s31+$0x80]  }
0x19b: {  	v0 =	vld [tilespmem:s31+$0x70]  }
0x19c: {  	v2 =	vld [tilespmem:s31+$0x40]  }
0x19d: {  	v3 =	vld [tilespmem:s31+$0x30]  }
0x19e: {  	v4 =	vld [tilespmem:s31+$0x0]  }
0x19f: {  	v5 =	vld [tilespmem:s31+$0xFFFFFFF0]  }
0x1a0: {  	v6 =	vld [tilespmem:s31+$0xFFFFFFA0]  }
0x1a1: {  	v7 =	vld [tilespmem:s31+$0xFFFFFF90]  }
0x1a2: {  	v8 =	vld [tilespmem:s31+$0xFFFFFF80]  }
0x1a3: {  	v9 =	vld [tilespmem:s31+$0xFFFFFF70]  }
0x1a4: {  	v10 =	vld [tilespmem:s31+$0xFFFFFF60]  }
0x1a5: {  	v11 =	vld [tilespmem:s31+$0xFFFFFF50]  }
0x1a6: {  	v12 =	vld [tilespmem:s31+$0xFFFFFF40]  }
0x1a7: {  	v13 =	vld [tilespmem:s31+$0xFFFFFF30]  }
0x1a8: {  	v14 =	vld [tilespmem:s31+$0xFFFFFF20]  }
0x1a9: {  	v15 =	vld [tilespmem:s31+$0xFFFFFF00]  }
0x1aa: {  	v16 =	vld [tilespmem:s31+$0x140]  }
0x1ab: {  	v17 =	vld [tilespmem:s31+$0xFFFFFEE0]  }
0x1ac: {  	v18 =	vld [tilespmem:s31+$0xFFFFFEF0]  }
0x1ad: {  	v19 =	vld [tilespmem:s31+$0xFFFFFEC0]  }
0x1ae: {  	v20 =	vld [tilespmem:s31+$0xFFFFFEB0]  }
0x1af: {  	v21 =	vld [tilespmem:s31+$0x100]  }
0x1b0: {  	v22 =	vld [tilespmem:s31+$0xFFFFFE50]  }
0x1b1: {  	v23 =	vld [tilespmem:s31+$0xFFFFFE80]  }
0x1b2: {  	v24 =	vld [tilespmem:s31+$0xFFFFFE00]  }
0x1b3: {  	v25 =	vld [tilespmem:s31+$0xFFFFFE70]  }
0x1b4: {  	v26 =	vld [tilespmem:s31+$0xFFFFFE60]  }
0x1b5: {  	v27 =	vld [tilespmem:s31+$0xC0]  }
0x1b6: {  	v28 =	vld [tilespmem:s31+$0xFFFFFE40]  }
0x1b7: {  	v29 =	vld [tilespmem:s31+$0xFFFFFFB0]  }
0x1b8: {  	v30 =	vld [tilespmem:s31+$0xFFFFFFC0]  }
0x1b9: {  	v31 =	vld [tilespmem:s31+$0xFFFFFE30]  }
0x1ba: {  	v32 =	vld [tilespmem:s31+$0xB0]  }
0x1bb: {  	v24 =	vadd.bf16 v28, v24;
	v28 =	vld [tilespmem:s31+$0xF0]  }
0x1bc: {  	v33 =	vld [tilespmem:s31+$0xFFFFFE20]  }
0x1bd: {  	v34 =	vld [tilespmem:s31+$0xFFFFFE10];
	v23 =	vadd.bf16 v23, v24  }
0x1be: {  	v24 =	vadd.bf16 v25, v31;
	v25 =	vld [tilespmem:s31+$0xFFFFFEA0]  }
0x1bf: {  	v31 =	vld [tilespmem:s31+$0xFFFFFE90];
	v19 =	vadd.bf16 v19, v23  }
0x1c0: {  	v20 =	vadd.bf16 v20, v24;
	v23 =	vld [tilespmem:s31+$0x170]  }
0x1c1: {  	v24 =	vadd.bf16 v26, v33;
	v26 =	vld [tilespmem:s31+$0xFFFFFED0]  }
0x1c2: {  	v15 =	vadd.bf16 v15, v19;
	v22 =	vadd.bf16 v22, v34;
	v19 =	vld [tilespmem:s31+$0x1B0]  }
0x1c3: {  	v18 =	vadd.bf16 v18, v20;
	v24 =	vadd.bf16 v25, v24;
	v20 =	vld [tilespmem:s31+$0xFFFFFF10]  }
0x1c4: {  	v12 =	vadd.bf16 v12, v15;
	v22 =	vadd.bf16 v31, v22;
	v15 =	vld [tilespmem:s31+$0x1F0]  }
0x1c5: {  	v13 =	vadd.bf16 v13, v18;
	v17 =	vadd.bf16 v17, v24;
	v18 =	vld [tilespmem:s31+$0x50]  }
0x1c6: {  	v8 =	vadd.bf16 v8, v12;
	v22 =	vadd.bf16 v26, v22;
	v12 =	vld [tilespmem:s31+$0x20]  }
0x1c7: {  	v9 =	vadd.bf16 v9, v13;
	v14 =	vadd.bf16 v14, v17;
	v13 =	vld [tilespmem:s31+$0x10]  }
0x1c8: {  	v8 =	vadd.bf16 v30, v8;
	v17 =	vadd.bf16 v20, v22;
	v20 =	vld [tilespmem:s31+$0xFFFFFFE0]  }
0x1c9: {  	v9 =	vadd.bf16 v29, v9;
	v10 =	vadd.bf16 v10, v14;
	v14 =	vld [tilespmem:s31+$0xFFFFFFD0]  }
0x1ca: {  	v4 =	vadd.bf16 v4, v8;
	v11 =	vadd.bf16 v11, v17;
	v8 =	vld [tilespmem:s31+$0x90]  }
0x1cb: {  	v5 =	vadd.bf16 v5, v9;
	v6 =	vadd.bf16 v6, v10;
	v9 =	vld [tilespmem:s31+$0x60]  }
0x1cc: {  	v2 =	vadd.bf16 v2, v4;
	v7 =	vadd.bf16 v7, v11;
	v4 =	vld [tilespmem:s31+$0x130]  }
0x1cd: {  	v3 =	vadd.bf16 v3, v5;
	v6 =	vadd.bf16 v20, v6;
	v5 =	vld [tilespmem:s31+$0x180]  }
0x1ce: {  	v1 =	vadd.bf16 v1, v2;
	v7 =	vadd.bf16 v14, v7;
	v2 =	vld [tilespmem:s31+$0xA0]  }
0x1cf: {  	v0 =	vadd.bf16 v0, v3;
	v6 =	vadd.bf16 v12, v6;
	v3 =	vld [tilespmem:s31+$0x1C0]  }
0x1d0: {  	v1 =	vadd.bf16 v27, v1;
	v7 =	vadd.bf16 v13, v7;
	v10 =	vld [tilespmem:s31+$0xE0]  }
0x1d1: {  	v0 =	vadd.bf16 v32, v0;
	v6 =	vadd.bf16 v9, v6;
	v9 =	vld [tilespmem:s31+$0xD0]  }
0x1d2: {  	v1 =	vadd.bf16 v21, v1;
	v7 =	vadd.bf16 v18, v7;
	v11 =	vld [tilespmem:s31+$0x120]  }
0x1d3: {  	v0 =	vadd.bf16 v28, v0;
	v2 =	vadd.bf16 v2, v6;
	v6 =	vld [tilespmem:s31+$0x110]  }
0x1d4: {  	v1 =	vadd.bf16 v16, v1;
	v7 =	vadd.bf16 v8, v7;
	v8 =	vld [tilespmem:s31+$0x160]  }
0x1d5: {  	v0 =	vadd.bf16 v4, v0;
	v2 =	vadd.bf16 v10, v2;
	v4 =	vld [tilespmem:s31+$0x150]  }
0x1d6: {  	v1 =	vadd.bf16 v5, v1;
	v7 =	vadd.bf16 v9, v7;
	v5 =	vld [tilespmem:s31+$0x1A0]  }
0x1d7: {  	v0 =	vadd.bf16 v23, v0;
	v2 =	vadd.bf16 v11, v2;
	v9 =	vld [tilespmem:s31+$0x190]  }
0x1d8: {  	v1 =	vadd.bf16 v3, v1;
	v6 =	vadd.bf16 v6, v7;
	v3 =	vld [tilespmem:s31+$0x1E0]  }
0x1d9: {  	s11 =	sshra.s32 s11, $0x2;
	v0 =	vadd.bf16 v19, v0;
	v2 =	vadd.bf16 v8, v2;
	v7 =	vld [tilespmem:s31+$0x1D0]  }
0x1da: {  	v4 =	vadd.bf16 v4, v6;
	[tilespmem:s11+$0xB400] =	vst v1  }
.Ltmp2:
0x1db: {  	v0 =	vadd.bf16 v15, v0;
	v1 =	vadd.bf16 v5, v2;
	(pc) =	sbr.rel @p0 .LBB2_7-.Ltmp2, $4  }
0x1dc: {  	v2 =	vadd.bf16 v9, v4  }
0x1dd: {  	v1 =	vadd.bf16 v3, v1;
	[tilespmem:s11+$0xB430] =	vst v0  }
0x1de: {  	v0 =	vadd.bf16 v7, v2  }
0x1df: {  	[tilespmem:s11+$0xB420] =	vst v1  }
0x1e0: {  	s28 =	sadd.s32 $0x1, s28  }
0x1e1: {  	p0 =	sne.s32 s28, $0x35  }
.Ltmp3:
0x1e2: {  	s1 =	sadd.s32 @!p1 $0x280, s30;
	(pc) =	sbr.rel @p0 .LBB2_2-.Ltmp3, $4  }
0x1e3: {  	[tilespmem:s11+$0xB410] =	vst v0;
	s11 =	simm.s32 @!p1 $0x80;
	s29 =	simm.s32 @!p1 $0x9000;
	s0 =	sshll.u32 s0, $0x6  }
0x1e4: {  	[tilespmem:s29], [sflag:$0x3] =	stream.indirect.gather @!p1 [hbm4b:s4+s11], $0x40, s1, s11, $0xb8;
	[tilespmem:$0xB600] =	vst v63  }
0x1e5: {  	s0 =	sadd.s32 s5, s0  }
0x1e6: {  	[hbm4b:s0+s2] =	stream.linear.scatter [tilespmem:s22], [sflag:$0x6], $0x200, $0x38;
	[tilespmem:$0xB600] =	vst v63  }
0x1e7: {  	_ =	swait.ge [sflag:s23], $0x200  }
0x1e8: {  	[sflag:s23] =	ssyncset.done $0x0  }
0x1e9: {  	s26 =	sadd.s32 $0x1, s26;
	[sflag:s23] =	ssyncadd.s32 $0xFFFFFE00  }
0x1ea: {  	p0 =	sne.s32 s26, s9;
	_ =	swait.ge [sflag:s24], $0x200  }
.Ltmp4:
0x1eb: {  	[sflag:s24] =	ssyncset.done $0x0;
	(pc) =	sbr.rel @p0 .LBB2_1-.Ltmp4, $4  }
0x1ec: {  	[sflag:s24] =	ssyncadd.s32 $0xFFFFFE00  }
0x1ed: {  	_ =	swait.ge [sflag:s25], $0x200  }
0x1ee: {  	[sflag:s25] =	ssyncset.done $0x0  }
0x1ef: {  	[sflag:s25] =	ssyncadd.s32 $0xFFFFFE00  }
0x1f0: {  	_ =	sfence.sel $0x180000  }
0x1f1: {  	[bflag:$0x0] =	sbarrier.arrive $0xFFFF  }
0x1f2: {  	_ =	strace $0x90000047  }
0x1f3: {  	s0 =	stileid.u32;
	[bflag:$0x2] =	sbarrier.arrive $0xFFFF  }
0x1f4: {  	p0 =	sne.s32 s0, $0x0;
	s0 =	rddreg [dreg:$0x1]  }
0x1f5: {  	s0 =	sadd.s32 @!p0 $0x100000, s0  }
0x1f6: {  	[sflag:s0] =	ssyncadd.tile.s32 @!p0 $0x1;
	_ =	shalt  }
.Lfunc_end2:
_tile_overlayer_lowered:
.L_overlay_start_2:
0x1f7: {  	(tag) =	ssettag $0x2  }
0x1f8: {  	s0 =	rddreg [dreg:$0x0];
	s2 =	stileid.u32  }
0x1f9: {  	s1 =	rddreg [dreg:$0x1];
	p0 =	sne.s32 s2, $0x0  }
0x1fa: {  	s3 =	rddreg [dreg:$0x2];
	[bflag:$0x3] =	sbarrier.arrive $0xFFFF;
	s2 =	simm.s32 @!p0 $0x1C07  }
0x1fb: {  	[timem:s3], [sflag:s2] =	dma.local @!p0 [hbm:s0], s1  }
0x1fc: {  	s0 =	simm.s32 @!p0 $0x7  }
0x1fd: {  	_ =	swait.ge @!p0 [sflag:s0], s1  }
0x1fe: {  	s1 =	ssub.s32 @!p0 $0x0, s1;
	[sflag:s0] =	ssyncset.done @!p0 $0x0  }
0x1ff: {  	[sflag:s0] =	ssyncadd.s32 @!p0 s1  }
0x200: {  	[bflag:$0x3] =	sbarrier.arrive $0xFFFF  }
0x201: {  	_ =	shalt  }

</sc_bundles>
